<compile_context>
chip_gen: v7x
topology: tpu7x:2x2x1
jax: 0.10.2.dev20260603
libtpu: 0.0.44.dev20260713+nightly
codegen_flags: <defaults>
</compile_context>

<pallas_src>
import functools

import jax
import jax.numpy as jnp
from jax import lax
from jax.experimental import pallas as pl
from jax.experimental.pallas import tpu as pltpu
from jax.experimental.pallas import tpu_sc as plsc

_N = 10000
_E = 320000
_D = 128
_G = 16

_ACC = 10112
_CH = 125
_NCH = 80
_RING = 16
_RPT = _ACC // 16
_WCH = 64


def _make_edge_agg():
    mesh = plsc.VectorSubcoreMesh(core_axis_name="c", subcore_axis_name="s")

    @functools.partial(
        pl.kernel,
        mesh=mesh,
        out_type=jax.ShapeDtypeStruct((2, _ACC, _D), jnp.float32),
        scratch_types=[
            pltpu.VMEM((2, _RING, _CH), jnp.int32),
            pltpu.VMEM((2, _RING, _CH), jnp.int32),
            pltpu.VMEM((2, _CH, _D), jnp.float32),
            pltpu.VMEM((_WCH, _D), jnp.float32),
            pltpu.VMEM_SHARED((_ACC, _D), jnp.float32),
            pltpu.SemaphoreType.DMA,
            pltpu.SemaphoreType.DMA,
        ],
    )
    def agg(src_hbm, dst_hbm, x_hbm, out_hbm, src_v, dst_v, rows_v, stage_v,
            acc_sh, sem0, sem1):
        c = lax.axis_index("c")
        s = lax.axis_index("s")
        wid = s * 2 + c
        sems = (sem0, sem1)

        def _zrow(j, carry):
            for k in range(_D // 16):
                stage_v[j, pl.ds(k * 16, 16)] = jnp.zeros((16,), jnp.float32)
            return carry

        lax.fori_loop(0, _WCH, _zrow, 0)
        for k2 in range(9):
            pltpu.sync_copy(stage_v,
                            acc_sh.at[pl.ds(s * _RPT + k2 * _WCH, _WCH)])
        pltpu.sync_copy(stage_v.at[pl.ds(0, 56)],
                        acc_sh.at[pl.ds(s * _RPT + 9 * _WCH, 56)])

        def _refill(blk):
            p = lax.rem(blk, 2)
            pltpu.sync_copy(src_hbm.at[wid, pl.ds(blk * _RING, _RING)],
                            src_v.at[p])
            pltpu.sync_copy(dst_hbm.at[wid, pl.ds(blk * _RING, _RING)],
                            dst_v.at[p])

        _refill(0)
        plsc.subcore_barrier()

        def _gather(p, r, b):
            return pltpu.make_async_copy(x_hbm.at[src_v.at[p, r]],
                                         rows_v.at[b], sems[b])

        _gather(0, 0, 0).start()

        def _body(t, carry):
            for b in range(2):
                j = t * 2 + b
                r = lax.rem(j, _RING)
                p = lax.rem(j // _RING, 2)
                _gather(p, r, b).wait()

                @pl.when((j + 1 < _NCH) & (r != _RING - 1))
                def _():
                    _gather(p, r + 1, 1 - b).start()

                pltpu.sync_copy(rows_v.at[b], acc_sh.at[dst_v.at[p, r]],
                                add=True)

                @pl.when((j + 1 < _NCH) & (r == _RING - 1))
                def _():
                    _refill((j + 1) // _RING)
                    _gather(1 - p, 0, 1 - b).start()
            return carry

        lax.fori_loop(0, _NCH // 2, _body, 0)
        plsc.subcore_barrier()

        for k2 in range(9):
            base = s * _RPT + k2 * _WCH
            pltpu.sync_copy(acc_sh.at[pl.ds(base, _WCH)], stage_v)
            pltpu.sync_copy(stage_v, out_hbm.at[c, pl.ds(base, _WCH)])
        base = s * _RPT + 9 * _WCH
        pltpu.sync_copy(acc_sh.at[pl.ds(base, 56)],
                        stage_v.at[pl.ds(0, 56)])
        pltpu.sync_copy(stage_v.at[pl.ds(0, 56)],
                        out_hbm.at[c, pl.ds(base, 56)])

    return agg


_edge_agg = _make_edge_agg()

_BLK = 1000


def _layer_body(eps_ref, x_ref, agg_ref, bat_ref, w_ref, b_ref,
                o_ref, po_ref, co_ref, pooled, cnt):
    i = pl.program_id(0)

    @pl.when(i == 0)
    def _():
        pooled[...] = jnp.zeros_like(pooled)
        cnt[...] = jnp.zeros_like(cnt)

    sums = eps_ref[0, 0] * x_ref[...] + agg_ref[0] + agg_ref[1]
    h = jnp.dot(sums, w_ref[...], preferred_element_type=jnp.float32)
    o_ref[...] = jnp.maximum(h + b_ref[...], 0.0)

    bat = bat_ref[0, 0, :]
    mask = (bat[:, None] == lax.broadcasted_iota(jnp.int32, (_BLK, _G), 1)
            ).astype(jnp.float32)
    dims = (((0,), (0,)), ((), ()))
    pooled[...] += lax.dot_general(mask, sums, dims,
                                   preferred_element_type=jnp.float32)
    cnt[...] += lax.dot_general(mask, jnp.ones((_BLK, _D), jnp.float32), dims,
                                preferred_element_type=jnp.float32)

    @pl.when(i == pl.num_programs(0) - 1)
    def _():
        po_ref[...] = pooled[...]
        co_ref[...] = cnt[...]


def _tc_layer(epsp, x, agg, batch3, w, b):
    return pl.pallas_call(
        _layer_body,
        grid=(_N // _BLK,),
        in_specs=[
            pl.BlockSpec((1, 1), lambda i: (0, 0)),
            pl.BlockSpec((_BLK, _D), lambda i: (i, 0)),
            pl.BlockSpec((2, _BLK, _D), lambda i: (0, i, 0)),
            pl.BlockSpec((1, 1, _BLK), lambda i: (i, 0, 0)),
            pl.BlockSpec((_D, _D), lambda i: (0, 0)),
            pl.BlockSpec((1, _D), lambda i: (0, 0)),
        ],
        out_specs=[
            pl.BlockSpec((_BLK, _D), lambda i: (i, 0)),
            pl.BlockSpec((_G, _D), lambda i: (0, 0)),
            pl.BlockSpec((_G, _D), lambda i: (0, 0)),
        ],
        out_shape=[
            jax.ShapeDtypeStruct((_N, _D), jnp.float32),
            jax.ShapeDtypeStruct((_G, _D), jnp.float32),
            jax.ShapeDtypeStruct((_G, _D), jnp.float32),
        ],
        scratch_shapes=[
            pltpu.VMEM((_G, _D), jnp.float32),
            pltpu.VMEM((_G, _D), jnp.float32),
        ],
    )(epsp, x, agg, batch3, w, b)


def _final_body(p_ref, c_ref, w_ref, b_ref, o_ref):
    o_ref[...] = (jnp.dot(p_ref[...], w_ref[...],
                          preferred_element_type=jnp.float32)
                  + c_ref[...] * b_ref[...])


def _tc_final(pooled, cnt, w, b):
    return pl.pallas_call(
        _final_body,
        out_shape=jax.ShapeDtypeStruct((_G, _D), jnp.float32),
    )(pooled, cnt, w, b)


def kernel(x, edge_index, batch, eps0, W0, b0, eps1, W1, b1, eps2, W2, b2):
    src = edge_index[0].reshape(32, _NCH, _CH)
    dst = edge_index[1].reshape(32, _NCH, _CH)
    batch3 = batch.reshape(_N // _BLK, 1, _BLK)
    epss = jnp.stack([(1.0 + eps0).reshape(1, 1),
                      (1.0 + eps1).reshape(1, 1),
                      (1.0 + eps2).reshape(1, 1)])
    ws = jnp.stack([W0, W1, W2])
    bs = jnp.stack([b0.reshape(1, _D), b1.reshape(1, _D),
                    b2.reshape(1, _D)])

    def _scan_body(h, lw):
        eps_l, w_l, b_l = lw
        agg = _edge_agg(src, dst, h)
        h2, pooled, cnt = _tc_layer(eps_l, h, agg, batch3, w_l, b_l)
        return h2, (pooled, cnt)

    _, (pooleds, cnts) = lax.scan(_scan_body, x, (epss, ws, bs))
    return _tc_final(pooleds[-1], cnts[-1], W2, b2.reshape(1, _D))

# --- scband reference (transcript-rebuilt; emitter-appended) ---
"""Pipeline reference for scband-ginmodel-81114752352699 (READ-ONLY COPY).

The authoritative reference and input builder live on the scoring server;
editing this copy changes nothing except your own understanding.
"""

import jax, jax.numpy as jnp
import numpy as np

N = 10000
E = 320000
D = 128
H = 128
O = 128
G = 16


def setup_inputs(seed: int = 0) -> dict:
    key = jax.random.key(seed)
    ks = jax.random.split(key, 10)
    x = jax.random.normal(ks[0], (N, D), dtype=jnp.float32)
    edge_index = jax.random.randint(ks[1], (2, E), 0, N, dtype=jnp.int32)
    batch = jnp.sort(jax.random.randint(ks[2], (N,), 0, G, dtype=jnp.int32))
    # GINConv eps parameters (train_eps=True, init 0.0)
    eps0 = jnp.zeros((), dtype=jnp.float32)
    eps1 = jnp.zeros((), dtype=jnp.float32)
    eps2 = jnp.zeros((), dtype=jnp.float32)
    # Linear layers per dim_list = [128, 128, 128, 128]
    W0 = jax.random.normal(ks[3], (D, H), dtype=jnp.float32) / np.sqrt(D)
    b0 = jax.random.uniform(ks[4], (H,), dtype=jnp.float32, minval=-1.0, maxval=1.0) / np.sqrt(D)
    W1 = jax.random.normal(ks[5], (H, H), dtype=jnp.float32) / np.sqrt(H)
    b1 = jax.random.uniform(ks[6], (H,), dtype=jnp.float32, minval=-1.0, maxval=1.0) / np.sqrt(H)
    W2 = jax.random.normal(ks[7], (H, O), dtype=jnp.float32) / np.sqrt(H)
    b2 = jax.random.uniform(ks[8], (O,), dtype=jnp.float32, minval=-1.0, maxval=1.0) / np.sqrt(H)
    return {"x": x, "edge_index": edge_index, "batch": batch,
            "eps0": eps0, "W0": W0, "b0": b0,
            "eps1": eps1, "W1": W1, "b1": b1,
            "eps2": eps2, "W2": W2, "b2": b2}


def _gin_layer(x, edge_index, eps, W, b):
    src = edge_index[0]
    dst = edge_index[1]
    # message: x_j gathered from source nodes, sum-aggregated at destination nodes
    agg = jax.ops.segment_sum(jnp.take(x, src, axis=0), dst, num_segments=N)
    h = (1.0 + eps) * x + agg
    return h @ W + b


def reference(x, edge_index, batch, eps0, W0, b0, eps1, W1, b1, eps2, W2, b2):
    # node_enc is None -> x used directly
    h = _gin_layer(x, edge_index, eps0, W0, b0)
    h = jax.nn.relu(h)
    h = _gin_layer(h, edge_index, eps1, W1, b1)
    h = jax.nn.relu(h)
    h = _gin_layer(h, edge_index, eps2, W2, b2)
    # global_add_pool over batch assignment
    out = jax.ops.segment_sum(h, batch, num_segments=G)
    return out

if __name__ == "__main__":
    import jax
    _d = setup_inputs()
    print(jax.jit(kernel)(*tuple(_d.values())))

</pallas_src>

<mosaic_0001>
#map = affine_map<(d0, d1) -> (0, 0, 0)>
#map1 = affine_map<(d0, d1) -> (0, 0)>
module attributes {stable_mosaic.version = 14 : i64} {
  func.func @agg(%arg0: i32, %arg1: i32, %arg2: memref<32x80x125xi32, #tpu.memory_space<hbm>>, %arg3: memref<32x80x125xi32, #tpu.memory_space<hbm>>, %arg4: memref<10000x128xf32, #tpu.memory_space<hbm>>, %arg5: memref<2x10112x128xf32, #tpu.memory_space<hbm>>, %arg6: memref<2x16x125xi32, #tpu.memory_space<vmem>>, %arg7: memref<2x16x125xi32, #tpu.memory_space<vmem>>, %arg8: memref<2x125x128xf32, #tpu.memory_space<vmem>>, %arg9: memref<64x128xf32, #tpu.memory_space<vmem>>, %arg10: memref<10112x128xf32, #tpu.memory_space<vmem_shared>>, %arg11: memref<!tpu.dma_semaphore, #tpu.memory_space<semaphore_mem>>, %arg12: memref<!tpu.dma_semaphore, #tpu.memory_space<semaphore_mem>>) attributes {dimension_semantics = [#tpu.dimension_semantics<core_parallel>, #tpu.dimension_semantics<subcore_parallel>], iteration_bounds = array<i64: 2, 16>, scalar_prefetch = 0 : i64, scratch_operands = 7 : i64, tpu.core_type = #tpu.core_type<sc_vector_subcore>, window_params = [{transform_indices = #map}, {transform_indices = #map}, {transform_indices = #map1}, {transform_indices = #map}]} {
    %mul3A = arith.constant 2 : i32
    %mul3A_0 = arith.muli %arg1, %mul3A : i32
    %add3A = arith.addi %mul3A_0, %arg0 : i32
    %scan3A = arith.constant 0 : i32
    %scan3A_1 = arith.constant 0 : i32
    %scan3A_2 = arith.constant 64 : i32
    %scan3A_3 = arith.addi %scan3A_1, %scan3A_2 : i32
    %scan3A_4 = arith.constant 1 : i32
    scf.for %scan3A_107 = %scan3A_1 to %scan3A_3 step %scan3A_4  : i32 {
      %broadcast_in_dim3A = arith.constant 0.000000e+00 : f32
      %broadcast_in_dim3A_108 = vector.broadcast %broadcast_in_dim3A : f32 to vector<16xf32>
      %swap3A = arith.index_cast %scan3A_107 : i32 to index
      %swap3A_109 = arith.constant 0 : index
      %swap3A_110 = tpu.vector_load %arg9[%swap3A, %swap3A_109] {strides = array<i32>} : memref<64x128xf32, #tpu.memory_space<vmem>>, vector<1x16xf32>,
      %swap3A_111 = vector.shape_cast %swap3A_110 : vector<1x16xf32> to vector<16xf32>
      %swap3A_112 = vector.shape_cast %broadcast_in_dim3A_108 : vector<16xf32> to vector<1x16xf32>
      tpu.vector_store %arg9[%swap3A, %swap3A_109], %swap3A_112 {strides = array<i32>} : memref<64x128xf32, #tpu.memory_space<vmem>>, vector<1x16xf32>,
      %broadcast_in_dim3A_113 = arith.constant 0.000000e+00 : f32
      %broadcast_in_dim3A_114 = vector.broadcast %broadcast_in_dim3A_113 : f32 to vector<16xf32>
      %swap3A_115 = arith.index_cast %scan3A_107 : i32 to index
      %swap3A_116 = arith.constant 16 : index
      %swap3A_117 = tpu.vector_load %arg9[%swap3A_115, %swap3A_116] {strides = array<i32>} : memref<64x128xf32, #tpu.memory_space<vmem>>, vector<1x16xf32>,
      %swap3A_118 = vector.shape_cast %swap3A_117 : vector<1x16xf32> to vector<16xf32>
      %swap3A_119 = vector.shape_cast %broadcast_in_dim3A_114 : vector<16xf32> to vector<1x16xf32>
      tpu.vector_store %arg9[%swap3A_115, %swap3A_116], %swap3A_119 {strides = array<i32>} : memref<64x128xf32, #tpu.memory_space<vmem>>, vector<1x16xf32>,
      %broadcast_in_dim3A_120 = arith.constant 0.000000e+00 : f32
      %broadcast_in_dim3A_121 = vector.broadcast %broadcast_in_dim3A_120 : f32 to vector<16xf32>
      %swap3A_122 = arith.index_cast %scan3A_107 : i32 to index
      %swap3A_123 = arith.constant 32 : index
      %swap3A_124 = tpu.vector_load %arg9[%swap3A_122, %swap3A_123] {strides = array<i32>} : memref<64x128xf32, #tpu.memory_space<vmem>>, vector<1x16xf32>,
      %swap3A_125 = vector.shape_cast %swap3A_124 : vector<1x16xf32> to vector<16xf32>
      %swap3A_126 = vector.shape_cast %broadcast_in_dim3A_121 : vector<16xf32> to vector<1x16xf32>
      tpu.vector_store %arg9[%swap3A_122, %swap3A_123], %swap3A_126 {strides = array<i32>} : memref<64x128xf32, #tpu.memory_space<vmem>>, vector<1x16xf32>,
      %broadcast_in_dim3A_127 = arith.constant 0.000000e+00 : f32
      %broadcast_in_dim3A_128 = vector.broadcast %broadcast_in_dim3A_127 : f32 to vector<16xf32>
      %swap3A_129 = arith.index_cast %scan3A_107 : i32 to index
      %swap3A_130 = arith.constant 48 : index
      %swap3A_131 = tpu.vector_load %arg9[%swap3A_129, %swap3A_130] {strides = array<i32>} : memref<64x128xf32, #tpu.memory_space<vmem>>, vector<1x16xf32>,
      %swap3A_132 = vector.shape_cast %swap3A_131 : vector<1x16xf32> to vector<16xf32>
      %swap3A_133 = vector.shape_cast %broadcast_in_dim3A_128 : vector<16xf32> to vector<1x16xf32>
      tpu.vector_store %arg9[%swap3A_129, %swap3A_130], %swap3A_133 {strides = array<i32>} : memref<64x128xf32, #tpu.memory_space<vmem>>, vector<1x16xf32>,
      %broadcast_in_dim3A_134 = arith.constant 0.000000e+00 : f32
      %broadcast_in_dim3A_135 = vector.broadcast %broadcast_in_dim3A_134 : f32 to vector<16xf32>
      %swap3A_136 = arith.index_cast %scan3A_107 : i32 to index
      %swap3A_137 = arith.constant 64 : index
      %swap3A_138 = tpu.vector_load %arg9[%swap3A_136, %swap3A_137] {strides = array<i32>} : memref<64x128xf32, #tpu.memory_space<vmem>>, vector<1x16xf32>,
      %swap3A_139 = vector.shape_cast %swap3A_138 : vector<1x16xf32> to vector<16xf32>
      %swap3A_140 = vector.shape_cast %broadcast_in_dim3A_135 : vector<16xf32> to vector<1x16xf32>
      tpu.vector_store %arg9[%swap3A_136, %swap3A_137], %swap3A_140 {strides = array<i32>} : memref<64x128xf32, #tpu.memory_space<vmem>>, vector<1x16xf32>,
      %broadcast_in_dim3A_141 = arith.constant 0.000000e+00 : f32
      %broadcast_in_dim3A_142 = vector.broadcast %broadcast_in_dim3A_141 : f32 to vector<16xf32>
      %swap3A_143 = arith.index_cast %scan3A_107 : i32 to index
      %swap3A_144 = arith.constant 80 : index
      %swap3A_145 = tpu.vector_load %arg9[%swap3A_143, %swap3A_144] {strides = array<i32>} : memref<64x128xf32, #tpu.memory_space<vmem>>, vector<1x16xf32>,
      %swap3A_146 = vector.shape_cast %swap3A_145 : vector<1x16xf32> to vector<16xf32>
      %swap3A_147 = vector.shape_cast %broadcast_in_dim3A_142 : vector<16xf32> to vector<1x16xf32>
      tpu.vector_store %arg9[%swap3A_143, %swap3A_144], %swap3A_147 {strides = array<i32>} : memref<64x128xf32, #tpu.memory_space<vmem>>, vector<1x16xf32>,
      %broadcast_in_dim3A_148 = arith.constant 0.000000e+00 : f32
      %broadcast_in_dim3A_149 = vector.broadcast %broadcast_in_dim3A_148 : f32 to vector<16xf32>
      %swap3A_150 = arith.index_cast %scan3A_107 : i32 to index
      %swap3A_151 = arith.constant 96 : index
      %swap3A_152 = tpu.vector_load %arg9[%swap3A_150, %swap3A_151] {strides = array<i32>} : memref<64x128xf32, #tpu.memory_space<vmem>>, vector<1x16xf32>,
      %swap3A_153 = vector.shape_cast %swap3A_152 : vector<1x16xf32> to vector<16xf32>
      %swap3A_154 = vector.shape_cast %broadcast_in_dim3A_149 : vector<16xf32> to vector<1x16xf32>
      tpu.vector_store %arg9[%swap3A_150, %swap3A_151], %swap3A_154 {strides = array<i32>} : memref<64x128xf32, #tpu.memory_space<vmem>>, vector<1x16xf32>,
      %broadcast_in_dim3A_155 = arith.constant 0.000000e+00 : f32
      %broadcast_in_dim3A_156 = vector.broadcast %broadcast_in_dim3A_155 : f32 to vector<16xf32>
      %swap3A_157 = arith.index_cast %scan3A_107 : i32 to index
      %swap3A_158 = arith.constant 112 : index
      %swap3A_159 = tpu.vector_load %arg9[%swap3A_157, %swap3A_158] {strides = array<i32>} : memref<64x128xf32, #tpu.memory_space<vmem>>, vector<1x16xf32>,
      %swap3A_160 = vector.shape_cast %swap3A_159 : vector<1x16xf32> to vector<16xf32>
      %swap3A_161 = vector.shape_cast %broadcast_in_dim3A_156 : vector<16xf32> to vector<1x16xf32>
      tpu.vector_store %arg9[%swap3A_157, %swap3A_158], %swap3A_161 {strides = array<i32>} : memref<64x128xf32, #tpu.memory_space<vmem>>, vector<1x16xf32>,
    }
    %scan3A_5 = arith.constant 64 : i32
    %mul3A_6 = arith.constant 632 : i32
    %mul3A_7 = arith.muli %arg1, %mul3A_6 : i32
    %add3A_8 = arith.constant 0 : i32
    %add3A_9 = arith.addi %mul3A_7, %add3A_8 : i32
    "tpu.region"() ({
      %run_scoped3A = tpu.sem_alloc : memref<!tpu.dma_semaphore, #tpu.memory_space<semaphore_mem>>
      %dma_start3A_107 = arith.constant 0 : i32
      %dma_start3A_108 = tpu.memref_slice %arg10[%add3A_9, %dma_start3A_107] : memref<10112x128xf32, #tpu.memory_space<vmem_shared>> -> memref<64x128xf32, #tpu.memory_space<vmem_shared>>
      %dma_start3A_109 = arith.constant 0 : i32
      %dma_start3A_110 = tpu.memref_slice %arg10[%add3A_9, %dma_start3A_109] : memref<10112x128xf32, #tpu.memory_space<vmem_shared>> -> memref<64x128xf32, #tpu.memory_space<vmem_shared>>
      tpu.enqueue_dma source(%arg9 : memref<64x128xf32, #tpu.memory_space<vmem>>) target(%dma_start3A_110 : memref<64x128xf32, #tpu.memory_space<vmem_shared>>) target_semaphore(%run_scoped3A : memref<!tpu.dma_semaphore, #tpu.memory_space<semaphore_mem>>)
      %dma_wait3A = arith.constant 0 : i32
      %dma_wait3A_111 = tpu.memref_slice %arg10[%add3A_9, %dma_wait3A] : memref<10112x128xf32, #tpu.memory_space<vmem_shared>> -> memref<64x128xf32, #tpu.memory_space<vmem_shared>>
      %dma_wait3A_112 = arith.constant 0 : i32
      %dma_wait3A_113 = tpu.memref_slice %arg10[%add3A_9, %dma_wait3A_112] : memref<10112x128xf32, #tpu.memory_space<vmem_shared>> -> memref<64x128xf32, #tpu.memory_space<vmem_shared>>
      tpu.wait_dma2 semaphore(%run_scoped3A : memref<!tpu.dma_semaphore, #tpu.memory_space<semaphore_mem>>) src(%arg9 : memref<64x128xf32, #tpu.memory_space<vmem>>) dst(%dma_wait3A_113 : memref<64x128xf32, #tpu.memory_space<vmem_shared>>)
      tpu.yield
    }) : () -> ()
    %mul3A_10 = arith.constant 632 : i32
    %mul3A_11 = arith.muli %arg1, %mul3A_10 : i32
    %add3A_12 = arith.constant 64 : i32
    %add3A_13 = arith.addi %mul3A_11, %add3A_12 : i32
    "tpu.region"() ({
      %run_scoped3A = tpu.sem_alloc : memref<!tpu.dma_semaphore, #tpu.memory_space<semaphore_mem>>
      %dma_start3A_107 = arith.constant 0 : i32
      %dma_start3A_108 = tpu.memref_slice %arg10[%add3A_13, %dma_start3A_107] : memref<10112x128xf32, #tpu.memory_space<vmem_shared>> -> memref<64x128xf32, #tpu.memory_space<vmem_shared>>
      %dma_start3A_109 = arith.constant 0 : i32
      %dma_start3A_110 = tpu.memref_slice %arg10[%add3A_13, %dma_start3A_109] : memref<10112x128xf32, #tpu.memory_space<vmem_shared>> -> memref<64x128xf32, #tpu.memory_space<vmem_shared>>
      tpu.enqueue_dma source(%arg9 : memref<64x128xf32, #tpu.memory_space<vmem>>) target(%dma_start3A_110 : memref<64x128xf32, #tpu.memory_space<vmem_shared>>) target_semaphore(%run_scoped3A : memref<!tpu.dma_semaphore, #tpu.memory_space<semaphore_mem>>)
      %dma_wait3A = arith.constant 0 : i32
      %dma_wait3A_111 = tpu.memref_slice %arg10[%add3A_13, %dma_wait3A] : memref<10112x128xf32, #tpu.memory_space<vmem_shared>> -> memref<64x128xf32, #tpu.memory_space<vmem_shared>>
      %dma_wait3A_112 = arith.constant 0 : i32
      %dma_wait3A_113 = tpu.memref_slice %arg10[%add3A_13, %dma_wait3A_112] : memref<10112x128xf32, #tpu.memory_space<vmem_shared>> -> memref<64x128xf32, #tpu.memory_space<vmem_shared>>
      tpu.wait_dma2 semaphore(%run_scoped3A : memref<!tpu.dma_semaphore, #tpu.memory_space<semaphore_mem>>) src(%arg9 : memref<64x128xf32, #tpu.memory_space<vmem>>) dst(%dma_wait3A_113 : memref<64x128xf32, #tpu.memory_space<vmem_shared>>)
      tpu.yield
    }) : () -> ()
    %mul3A_14 = arith.constant 632 : i32
    %mul3A_15 = arith.muli %arg1, %mul3A_14 : i32
    %add3A_16 = arith.constant 128 : i32
    %add3A_17 = arith.addi %mul3A_15, %add3A_16 : i32
    "tpu.region"() ({
      %run_scoped3A = tpu.sem_alloc : memref<!tpu.dma_semaphore, #tpu.memory_space<semaphore_mem>>
      %dma_start3A_107 = arith.constant 0 : i32
      %dma_start3A_108 = tpu.memref_slice %arg10[%add3A_17, %dma_start3A_107] : memref<10112x128xf32, #tpu.memory_space<vmem_shared>> -> memref<64x128xf32, #tpu.memory_space<vmem_shared>>
      %dma_start3A_109 = arith.constant 0 : i32
      %dma_start3A_110 = tpu.memref_slice %arg10[%add3A_17, %dma_start3A_109] : memref<10112x128xf32, #tpu.memory_space<vmem_shared>> -> memref<64x128xf32, #tpu.memory_space<vmem_shared>>
      tpu.enqueue_dma source(%arg9 : memref<64x128xf32, #tpu.memory_space<vmem>>) target(%dma_start3A_110 : memref<64x128xf32, #tpu.memory_space<vmem_shared>>) target_semaphore(%run_scoped3A : memref<!tpu.dma_semaphore, #tpu.memory_space<semaphore_mem>>)
      %dma_wait3A = arith.constant 0 : i32
      %dma_wait3A_111 = tpu.memref_slice %arg10[%add3A_17, %dma_wait3A] : memref<10112x128xf32, #tpu.memory_space<vmem_shared>> -> memref<64x128xf32, #tpu.memory_space<vmem_shared>>
      %dma_wait3A_112 = arith.constant 0 : i32
      %dma_wait3A_113 = tpu.memref_slice %arg10[%add3A_17, %dma_wait3A_112] : memref<10112x128xf32, #tpu.memory_space<vmem_shared>> -> memref<64x128xf32, #tpu.memory_space<vmem_shared>>
      tpu.wait_dma2 semaphore(%run_scoped3A : memref<!tpu.dma_semaphore, #tpu.memory_space<semaphore_mem>>) src(%arg9 : memref<64x128xf32, #tpu.memory_space<vmem>>) dst(%dma_wait3A_113 : memref<64x128xf32, #tpu.memory_space<vmem_shared>>)
      tpu.yield
    }) : () -> ()
    %mul3A_18 = arith.constant 632 : i32
    %mul3A_19 = arith.muli %arg1, %mul3A_18 : i32
    %add3A_20 = arith.constant 192 : i32
    %add3A_21 = arith.addi %mul3A_19, %add3A_20 : i32
    "tpu.region"() ({
      %run_scoped3A = tpu.sem_alloc : memref<!tpu.dma_semaphore, #tpu.memory_space<semaphore_mem>>
      %dma_start3A_107 = arith.constant 0 : i32
      %dma_start3A_108 = tpu.memref_slice %arg10[%add3A_21, %dma_start3A_107] : memref<10112x128xf32, #tpu.memory_space<vmem_shared>> -> memref<64x128xf32, #tpu.memory_space<vmem_shared>>
      %dma_start3A_109 = arith.constant 0 : i32
      %dma_start3A_110 = tpu.memref_slice %arg10[%add3A_21, %dma_start3A_109] : memref<10112x128xf32, #tpu.memory_space<vmem_shared>> -> memref<64x128xf32, #tpu.memory_space<vmem_shared>>
      tpu.enqueue_dma source(%arg9 : memref<64x128xf32, #tpu.memory_space<vmem>>) target(%dma_start3A_110 : memref<64x128xf32, #tpu.memory_space<vmem_shared>>) target_semaphore(%run_scoped3A : memref<!tpu.dma_semaphore, #tpu.memory_space<semaphore_mem>>)
      %dma_wait3A = arith.constant 0 : i32
      %dma_wait3A_111 = tpu.memref_slice %arg10[%add3A_21, %dma_wait3A] : memref<10112x128xf32, #tpu.memory_space<vmem_shared>> -> memref<64x128xf32, #tpu.memory_space<vmem_shared>>
      %dma_wait3A_112 = arith.constant 0 : i32
      %dma_wait3A_113 = tpu.memref_slice %arg10[%add3A_21, %dma_wait3A_112] : memref<10112x128xf32, #tpu.memory_space<vmem_shared>> -> memref<64x128xf32, #tpu.memory_space<vmem_shared>>
      tpu.wait_dma2 semaphore(%run_scoped3A : memref<!tpu.dma_semaphore, #tpu.memory_space<semaphore_mem>>) src(%arg9 : memref<64x128xf32, #tpu.memory_space<vmem>>) dst(%dma_wait3A_113 : memref<64x128xf32, #tpu.memory_space<vmem_shared>>)
      tpu.yield
    }) : () -> ()
    %mul3A_22 = arith.constant 632 : i32
    %mul3A_23 = arith.muli %arg1, %mul3A_22 : i32
    %add3A_24 = arith.constant 256 : i32
    %add3A_25 = arith.addi %mul3A_23, %add3A_24 : i32
    "tpu.region"() ({
      %run_scoped3A = tpu.sem_alloc : memref<!tpu.dma_semaphore, #tpu.memory_space<semaphore_mem>>
      %dma_start3A_107 = arith.constant 0 : i32
      %dma_start3A_108 = tpu.memref_slice %arg10[%add3A_25, %dma_start3A_107] : memref<10112x128xf32, #tpu.memory_space<vmem_shared>> -> memref<64x128xf32, #tpu.memory_space<vmem_shared>>
      %dma_start3A_109 = arith.constant 0 : i32
      %dma_start3A_110 = tpu.memref_slice %arg10[%add3A_25, %dma_start3A_109] : memref<10112x128xf32, #tpu.memory_space<vmem_shared>> -> memref<64x128xf32, #tpu.memory_space<vmem_shared>>
      tpu.enqueue_dma source(%arg9 : memref<64x128xf32, #tpu.memory_space<vmem>>) target(%dma_start3A_110 : memref<64x128xf32, #tpu.memory_space<vmem_shared>>) target_semaphore(%run_scoped3A : memref<!tpu.dma_semaphore, #tpu.memory_space<semaphore_mem>>)
      %dma_wait3A = arith.constant 0 : i32
      %dma_wait3A_111 = tpu.memref_slice %arg10[%add3A_25, %dma_wait3A] : memref<10112x128xf32, #tpu.memory_space<vmem_shared>> -> memref<64x128xf32, #tpu.memory_space<vmem_shared>>
      %dma_wait3A_112 = arith.constant 0 : i32
      %dma_wait3A_113 = tpu.memref_slice %arg10[%add3A_25, %dma_wait3A_112] : memref<10112x128xf32, #tpu.memory_space<vmem_shared>> -> memref<64x128xf32, #tpu.memory_space<vmem_shared>>
      tpu.wait_dma2 semaphore(%run_scoped3A : memref<!tpu.dma_semaphore, #tpu.memory_space<semaphore_mem>>) src(%arg9 : memref<64x128xf32, #tpu.memory_space<vmem>>) dst(%dma_wait3A_113 : memref<64x128xf32, #tpu.memory_space<vmem_shared>>)
      tpu.yield
    }) : () -> ()
    %mul3A_26 = arith.constant 632 : i32
    %mul3A_27 = arith.muli %arg1, %mul3A_26 : i32
    %add3A_28 = arith.constant 320 : i32
    %add3A_29 = arith.addi %mul3A_27, %add3A_28 : i32
    "tpu.region"() ({
      %run_scoped3A = tpu.sem_alloc : memref<!tpu.dma_semaphore, #tpu.memory_space<semaphore_mem>>
      %dma_start3A_107 = arith.constant 0 : i32
      %dma_start3A_108 = tpu.memref_slice %arg10[%add3A_29, %dma_start3A_107] : memref<10112x128xf32, #tpu.memory_space<vmem_shared>> -> memref<64x128xf32, #tpu.memory_space<vmem_shared>>
      %dma_start3A_109 = arith.constant 0 : i32
      %dma_start3A_110 = tpu.memref_slice %arg10[%add3A_29, %dma_start3A_109] : memref<10112x128xf32, #tpu.memory_space<vmem_shared>> -> memref<64x128xf32, #tpu.memory_space<vmem_shared>>
      tpu.enqueue_dma source(%arg9 : memref<64x128xf32, #tpu.memory_space<vmem>>) target(%dma_start3A_110 : memref<64x128xf32, #tpu.memory_space<vmem_shared>>) target_semaphore(%run_scoped3A : memref<!tpu.dma_semaphore, #tpu.memory_space<semaphore_mem>>)
      %dma_wait3A = arith.constant 0 : i32
      %dma_wait3A_111 = tpu.memref_slice %arg10[%add3A_29, %dma_wait3A] : memref<10112x128xf32, #tpu.memory_space<vmem_shared>> -> memref<64x128xf32, #tpu.memory_space<vmem_shared>>
      %dma_wait3A_112 = arith.constant 0 : i32
      %dma_wait3A_113 = tpu.memref_slice %arg10[%add3A_29, %dma_wait3A_112] : memref<10112x128xf32, #tpu.memory_space<vmem_shared>> -> memref<64x128xf32, #tpu.memory_space<vmem_shared>>
      tpu.wait_dma2 semaphore(%run_scoped3A : memref<!tpu.dma_semaphore, #tpu.memory_space<semaphore_mem>>) src(%arg9 : memref<64x128xf32, #tpu.memory_space<vmem>>) dst(%dma_wait3A_113 : memref<64x128xf32, #tpu.memory_space<vmem_shared>>)
      tpu.yield
    }) : () -> ()
    %mul3A_30 = arith.constant 632 : i32
    %mul3A_31 = arith.muli %arg1, %mul3A_30 : i32
    %add3A_32 = arith.constant 384 : i32
    %add3A_33 = arith.addi %mul3A_31, %add3A_32 : i32
    "tpu.region"() ({
      %run_scoped3A = tpu.sem_alloc : memref<!tpu.dma_semaphore, #tpu.memory_space<semaphore_mem>>
      %dma_start3A_107 = arith.constant 0 : i32
      %dma_start3A_108 = tpu.memref_slice %arg10[%add3A_33, %dma_start3A_107] : memref<10112x128xf32, #tpu.memory_space<vmem_shared>> -> memref<64x128xf32, #tpu.memory_space<vmem_shared>>
      %dma_start3A_109 = arith.constant 0 : i32
      %dma_start3A_110 = tpu.memref_slice %arg10[%add3A_33, %dma_start3A_109] : memref<10112x128xf32, #tpu.memory_space<vmem_shared>> -> memref<64x128xf32, #tpu.memory_space<vmem_shared>>
      tpu.enqueue_dma source(%arg9 : memref<64x128xf32, #tpu.memory_space<vmem>>) target(%dma_start3A_110 : memref<64x128xf32, #tpu.memory_space<vmem_shared>>) target_semaphore(%run_scoped3A : memref<!tpu.dma_semaphore, #tpu.memory_space<semaphore_mem>>)
      %dma_wait3A = arith.constant 0 : i32
      %dma_wait3A_111 = tpu.memref_slice %arg10[%add3A_33, %dma_wait3A] : memref<10112x128xf32, #tpu.memory_space<vmem_shared>> -> memref<64x128xf32, #tpu.memory_space<vmem_shared>>
      %dma_wait3A_112 = arith.constant 0 : i32
      %dma_wait3A_113 = tpu.memref_slice %arg10[%add3A_33, %dma_wait3A_112] : memref<10112x128xf32, #tpu.memory_space<vmem_shared>> -> memref<64x128xf32, #tpu.memory_space<vmem_shared>>
      tpu.wait_dma2 semaphore(%run_scoped3A : memref<!tpu.dma_semaphore, #tpu.memory_space<semaphore_mem>>) src(%arg9 : memref<64x128xf32, #tpu.memory_space<vmem>>) dst(%dma_wait3A_113 : memref<64x128xf32, #tpu.memory_space<vmem_shared>>)
      tpu.yield
    }) : () -> ()
    %mul3A_34 = arith.constant 632 : i32
    %mul3A_35 = arith.muli %arg1, %mul3A_34 : i32
    %add3A_36 = arith.constant 448 : i32
    %add3A_37 = arith.addi %mul3A_35, %add3A_36 : i32
    "tpu.region"() ({
      %run_scoped3A = tpu.sem_alloc : memref<!tpu.dma_semaphore, #tpu.memory_space<semaphore_mem>>
      %dma_start3A_107 = arith.constant 0 : i32
      %dma_start3A_108 = tpu.memref_slice %arg10[%add3A_37, %dma_start3A_107] : memref<10112x128xf32, #tpu.memory_space<vmem_shared>> -> memref<64x128xf32, #tpu.memory_space<vmem_shared>>
      %dma_start3A_109 = arith.constant 0 : i32
      %dma_start3A_110 = tpu.memref_slice %arg10[%add3A_37, %dma_start3A_109] : memref<10112x128xf32, #tpu.memory_space<vmem_shared>> -> memref<64x128xf32, #tpu.memory_space<vmem_shared>>
      tpu.enqueue_dma source(%arg9 : memref<64x128xf32, #tpu.memory_space<vmem>>) target(%dma_start3A_110 : memref<64x128xf32, #tpu.memory_space<vmem_shared>>) target_semaphore(%run_scoped3A : memref<!tpu.dma_semaphore, #tpu.memory_space<semaphore_mem>>)
      %dma_wait3A = arith.constant 0 : i32
      %dma_wait3A_111 = tpu.memref_slice %arg10[%add3A_37, %dma_wait3A] : memref<10112x128xf32, #tpu.memory_space<vmem_shared>> -> memref<64x128xf32, #tpu.memory_space<vmem_shared>>
      %dma_wait3A_112 = arith.constant 0 : i32
      %dma_wait3A_113 = tpu.memref_slice %arg10[%add3A_37, %dma_wait3A_112] : memref<10112x128xf32, #tpu.memory_space<vmem_shared>> -> memref<64x128xf32, #tpu.memory_space<vmem_shared>>
      tpu.wait_dma2 semaphore(%run_scoped3A : memref<!tpu.dma_semaphore, #tpu.memory_space<semaphore_mem>>) src(%arg9 : memref<64x128xf32, #tpu.memory_space<vmem>>) dst(%dma_wait3A_113 : memref<64x128xf32, #tpu.memory_space<vmem_shared>>)
      tpu.yield
    }) : () -> ()
    %mul3A_38 = arith.constant 632 : i32
    %mul3A_39 = arith.muli %arg1, %mul3A_38 : i32
    %add3A_40 = arith.constant 512 : i32
    %add3A_41 = arith.addi %mul3A_39, %add3A_40 : i32
    "tpu.region"() ({
      %run_scoped3A = tpu.sem_alloc : memref<!tpu.dma_semaphore, #tpu.memory_space<semaphore_mem>>
      %dma_start3A_107 = arith.constant 0 : i32
      %dma_start3A_108 = tpu.memref_slice %arg10[%add3A_41, %dma_start3A_107] : memref<10112x128xf32, #tpu.memory_space<vmem_shared>> -> memref<64x128xf32, #tpu.memory_space<vmem_shared>>
      %dma_start3A_109 = arith.constant 0 : i32
      %dma_start3A_110 = tpu.memref_slice %arg10[%add3A_41, %dma_start3A_109] : memref<10112x128xf32, #tpu.memory_space<vmem_shared>> -> memref<64x128xf32, #tpu.memory_space<vmem_shared>>
      tpu.enqueue_dma source(%arg9 : memref<64x128xf32, #tpu.memory_space<vmem>>) target(%dma_start3A_110 : memref<64x128xf32, #tpu.memory_space<vmem_shared>>) target_semaphore(%run_scoped3A : memref<!tpu.dma_semaphore, #tpu.memory_space<semaphore_mem>>)
      %dma_wait3A = arith.constant 0 : i32
      %dma_wait3A_111 = tpu.memref_slice %arg10[%add3A_41, %dma_wait3A] : memref<10112x128xf32, #tpu.memory_space<vmem_shared>> -> memref<64x128xf32, #tpu.memory_space<vmem_shared>>
      %dma_wait3A_112 = arith.constant 0 : i32
      %dma_wait3A_113 = tpu.memref_slice %arg10[%add3A_41, %dma_wait3A_112] : memref<10112x128xf32, #tpu.memory_space<vmem_shared>> -> memref<64x128xf32, #tpu.memory_space<vmem_shared>>
      tpu.wait_dma2 semaphore(%run_scoped3A : memref<!tpu.dma_semaphore, #tpu.memory_space<semaphore_mem>>) src(%arg9 : memref<64x128xf32, #tpu.memory_space<vmem>>) dst(%dma_wait3A_113 : memref<64x128xf32, #tpu.memory_space<vmem_shared>>)
      tpu.yield
    }) : () -> ()
    %mul3A_42 = arith.constant 632 : i32
    %mul3A_43 = arith.muli %arg1, %mul3A_42 : i32
    %add3A_44 = arith.constant 576 : i32
    %add3A_45 = arith.addi %mul3A_43, %add3A_44 : i32
    "tpu.region"() ({
      %run_scoped3A = tpu.sem_alloc : memref<!tpu.dma_semaphore, #tpu.memory_space<semaphore_mem>>
      %dma_start3A_107 = arith.constant 0 : i32
      %dma_start3A_108 = arith.constant 0 : i32
      %dma_start3A_109 = tpu.memref_slice %arg9[%dma_start3A_107, %dma_start3A_108] : memref<64x128xf32, #tpu.memory_space<vmem>> -> memref<56x128xf32, #tpu.memory_space<vmem>>
      %dma_start3A_110 = arith.constant 0 : i32
      %dma_start3A_111 = tpu.memref_slice %arg10[%add3A_45, %dma_start3A_110] : memref<10112x128xf32, #tpu.memory_space<vmem_shared>> -> memref<56x128xf32, #tpu.memory_space<vmem_shared>>
      %dma_start3A_112 = arith.constant 0 : i32
      %dma_start3A_113 = tpu.memref_slice %arg10[%add3A_45, %dma_start3A_112] : memref<10112x128xf32, #tpu.memory_space<vmem_shared>> -> memref<56x128xf32, #tpu.memory_space<vmem_shared>>
      %dma_start3A_114 = arith.constant 0 : i32
      %dma_start3A_115 = arith.constant 0 : i32
      %dma_start3A_116 = tpu.memref_slice %arg9[%dma_start3A_114, %dma_start3A_115] : memref<64x128xf32, #tpu.memory_space<vmem>> -> memref<56x128xf32, #tpu.memory_space<vmem>>
      tpu.enqueue_dma source(%dma_start3A_116 : memref<56x128xf32, #tpu.memory_space<vmem>>) target(%dma_start3A_113 : memref<56x128xf32, #tpu.memory_space<vmem_shared>>) target_semaphore(%run_scoped3A : memref<!tpu.dma_semaphore, #tpu.memory_space<semaphore_mem>>)
      %dma_wait3A = arith.constant 0 : i32
      %dma_wait3A_117 = arith.constant 0 : i32
      %dma_wait3A_118 = tpu.memref_slice %arg9[%dma_wait3A, %dma_wait3A_117] : memref<64x128xf32, #tpu.memory_space<vmem>> -> memref<56x128xf32, #tpu.memory_space<vmem>>
      %dma_wait3A_119 = arith.constant 0 : i32
      %dma_wait3A_120 = tpu.memref_slice %arg10[%add3A_45, %dma_wait3A_119] : memref<10112x128xf32, #tpu.memory_space<vmem_shared>> -> memref<56x128xf32, #tpu.memory_space<vmem_shared>>
      %dma_wait3A_121 = arith.constant 0 : i32
      %dma_wait3A_122 = tpu.memref_slice %arg10[%add3A_45, %dma_wait3A_121] : memref<10112x128xf32, #tpu.memory_space<vmem_shared>> -> memref<56x128xf32, #tpu.memory_space<vmem_shared>>
      %dma_wait3A_123 = arith.constant 0 : i32
      %dma_wait3A_124 = arith.constant 0 : i32
      %dma_wait3A_125 = tpu.memref_slice %arg9[%dma_wait3A_123, %dma_wait3A_124] : memref<64x128xf32, #tpu.memory_space<vmem>> -> memref<56x128xf32, #tpu.memory_space<vmem>>
      tpu.wait_dma2 semaphore(%run_scoped3A : memref<!tpu.dma_semaphore, #tpu.memory_space<semaphore_mem>>) src(%dma_wait3A_125 : memref<56x128xf32, #tpu.memory_space<vmem>>) dst(%dma_wait3A_122 : memref<56x128xf32, #tpu.memory_space<vmem_shared>>)
      tpu.yield
    }) : () -> ()
    %rem3A = arith.constant 0 : i32
    %rem3A_46 = arith.constant 2 : i32
    %rem3A_47 = arith.remsi %rem3A, %rem3A_46 : i32
    "tpu.region"() ({
      %run_scoped3A = tpu.sem_alloc : memref<!tpu.dma_semaphore, #tpu.memory_space<semaphore_mem>>
      %dma_start3A_107 = arith.constant 0 : i32
      %dma_start3A_108 = arith.constant 0 : i32
      %dma_start3A_109 = tpu.memref_slice %arg6[%rem3A_47, %dma_start3A_107, %dma_start3A_108] : memref<2x16x125xi32, #tpu.memory_space<vmem>> -> memref<1x16x125xi32, #tpu.memory_space<vmem>>
      %dma_start3A_110 = tpu.memref_squeeze %dma_start3A_109 : memref<1x16x125xi32, #tpu.memory_space<vmem>> -> memref<16x125xi32, #tpu.memory_space<vmem>>
      %dma_start3A_111 = arith.constant 0 : i32
      %dma_start3A_112 = arith.constant 0 : i32
      %dma_start3A_113 = tpu.memref_slice %arg2[%add3A, %dma_start3A_111, %dma_start3A_112] : memref<32x80x125xi32, #tpu.memory_space<hbm>> -> memref<1x16x125xi32, #tpu.memory_space<hbm>>
      %dma_start3A_114 = tpu.memref_squeeze %dma_start3A_113 : memref<1x16x125xi32, #tpu.memory_space<hbm>> -> memref<16x125xi32, #tpu.memory_space<hbm>>
      %dma_start3A_115 = arith.constant 0 : i32
      %dma_start3A_116 = arith.constant 0 : i32
      %dma_start3A_117 = tpu.memref_slice %arg6[%rem3A_47, %dma_start3A_115, %dma_start3A_116] : memref<2x16x125xi32, #tpu.memory_space<vmem>> -> memref<1x16x125xi32, #tpu.memory_space<vmem>>
      %dma_start3A_118 = tpu.memref_squeeze %dma_start3A_117 : memref<1x16x125xi32, #tpu.memory_space<vmem>> -> memref<16x125xi32, #tpu.memory_space<vmem>>
      %dma_start3A_119 = arith.constant 0 : i32
      %dma_start3A_120 = arith.constant 0 : i32
      %dma_start3A_121 = tpu.memref_slice %arg2[%add3A, %dma_start3A_119, %dma_start3A_120] : memref<32x80x125xi32, #tpu.memory_space<hbm>> -> memref<1x16x125xi32, #tpu.memory_space<hbm>>
      %dma_start3A_122 = tpu.memref_squeeze %dma_start3A_121 : memref<1x16x125xi32, #tpu.memory_space<hbm>> -> memref<16x125xi32, #tpu.memory_space<hbm>>
      tpu.enqueue_dma source(%dma_start3A_122 : memref<16x125xi32, #tpu.memory_space<hbm>>) target(%dma_start3A_118 : memref<16x125xi32, #tpu.memory_space<vmem>>) target_semaphore(%run_scoped3A : memref<!tpu.dma_semaphore, #tpu.memory_space<semaphore_mem>>)
      %dma_wait3A = arith.constant 0 : i32
      %dma_wait3A_123 = arith.constant 0 : i32
      %dma_wait3A_124 = tpu.memref_slice %arg6[%rem3A_47, %dma_wait3A, %dma_wait3A_123] : memref<2x16x125xi32, #tpu.memory_space<vmem>> -> memref<1x16x125xi32, #tpu.memory_space<vmem>>
      %dma_wait3A_125 = tpu.memref_squeeze %dma_wait3A_124 : memref<1x16x125xi32, #tpu.memory_space<vmem>> -> memref<16x125xi32, #tpu.memory_space<vmem>>
      %dma_wait3A_126 = arith.constant 0 : i32
      %dma_wait3A_127 = arith.constant 0 : i32
      %dma_wait3A_128 = tpu.memref_slice %arg2[%add3A, %dma_wait3A_126, %dma_wait3A_127] : memref<32x80x125xi32, #tpu.memory_space<hbm>> -> memref<1x16x125xi32, #tpu.memory_space<hbm>>
      %dma_wait3A_129 = tpu.memref_squeeze %dma_wait3A_128 : memref<1x16x125xi32, #tpu.memory_space<hbm>> -> memref<16x125xi32, #tpu.memory_space<hbm>>
      %dma_wait3A_130 = arith.constant 0 : i32
      %dma_wait3A_131 = arith.constant 0 : i32
      %dma_wait3A_132 = tpu.memref_slice %arg6[%rem3A_47, %dma_wait3A_130, %dma_wait3A_131] : memref<2x16x125xi32, #tpu.memory_space<vmem>> -> memref<1x16x125xi32, #tpu.memory_space<vmem>>
      %dma_wait3A_133 = tpu.memref_squeeze %dma_wait3A_132 : memref<1x16x125xi32, #tpu.memory_space<vmem>> -> memref<16x125xi32, #tpu.memory_space<vmem>>
      %dma_wait3A_134 = arith.constant 0 : i32
      %dma_wait3A_135 = arith.constant 0 : i32
      %dma_wait3A_136 = tpu.memref_slice %arg2[%add3A, %dma_wait3A_134, %dma_wait3A_135] : memref<32x80x125xi32, #tpu.memory_space<hbm>> -> memref<1x16x125xi32, #tpu.memory_space<hbm>>
      %dma_wait3A_137 = tpu.memref_squeeze %dma_wait3A_136 : memref<1x16x125xi32, #tpu.memory_space<hbm>> -> memref<16x125xi32, #tpu.memory_space<hbm>>
      tpu.wait_dma2 semaphore(%run_scoped3A : memref<!tpu.dma_semaphore, #tpu.memory_space<semaphore_mem>>) src(%dma_wait3A_137 : memref<16x125xi32, #tpu.memory_space<hbm>>) dst(%dma_wait3A_133 : memref<16x125xi32, #tpu.memory_space<vmem>>)
      tpu.yield
    }) : () -> ()
    "tpu.region"() ({
      %run_scoped3A = tpu.sem_alloc : memref<!tpu.dma_semaphore, #tpu.memory_space<semaphore_mem>>
      %dma_start3A_107 = arith.constant 0 : i32
      %dma_start3A_108 = arith.constant 0 : i32
      %dma_start3A_109 = tpu.memref_slice %arg7[%rem3A_47, %dma_start3A_107, %dma_start3A_108] : memref<2x16x125xi32, #tpu.memory_space<vmem>> -> memref<1x16x125xi32, #tpu.memory_space<vmem>>
      %dma_start3A_110 = tpu.memref_squeeze %dma_start3A_109 : memref<1x16x125xi32, #tpu.memory_space<vmem>> -> memref<16x125xi32, #tpu.memory_space<vmem>>
      %dma_start3A_111 = arith.constant 0 : i32
      %dma_start3A_112 = arith.constant 0 : i32
      %dma_start3A_113 = tpu.memref_slice %arg3[%add3A, %dma_start3A_111, %dma_start3A_112] : memref<32x80x125xi32, #tpu.memory_space<hbm>> -> memref<1x16x125xi32, #tpu.memory_space<hbm>>
      %dma_start3A_114 = tpu.memref_squeeze %dma_start3A_113 : memref<1x16x125xi32, #tpu.memory_space<hbm>> -> memref<16x125xi32, #tpu.memory_space<hbm>>
      %dma_start3A_115 = arith.constant 0 : i32
      %dma_start3A_116 = arith.constant 0 : i32
      %dma_start3A_117 = tpu.memref_slice %arg7[%rem3A_47, %dma_start3A_115, %dma_start3A_116] : memref<2x16x125xi32, #tpu.memory_space<vmem>> -> memref<1x16x125xi32, #tpu.memory_space<vmem>>
      %dma_start3A_118 = tpu.memref_squeeze %dma_start3A_117 : memref<1x16x125xi32, #tpu.memory_space<vmem>> -> memref<16x125xi32, #tpu.memory_space<vmem>>
      %dma_start3A_119 = arith.constant 0 : i32
      %dma_start3A_120 = arith.constant 0 : i32
      %dma_start3A_121 = tpu.memref_slice %arg3[%add3A, %dma_start3A_119, %dma_start3A_120] : memref<32x80x125xi32, #tpu.memory_space<hbm>> -> memref<1x16x125xi32, #tpu.memory_space<hbm>>
      %dma_start3A_122 = tpu.memref_squeeze %dma_start3A_121 : memref<1x16x125xi32, #tpu.memory_space<hbm>> -> memref<16x125xi32, #tpu.memory_space<hbm>>
      tpu.enqueue_dma source(%dma_start3A_122 : memref<16x125xi32, #tpu.memory_space<hbm>>) target(%dma_start3A_118 : memref<16x125xi32, #tpu.memory_space<vmem>>) target_semaphore(%run_scoped3A : memref<!tpu.dma_semaphore, #tpu.memory_space<semaphore_mem>>)
      %dma_wait3A = arith.constant 0 : i32
      %dma_wait3A_123 = arith.constant 0 : i32
      %dma_wait3A_124 = tpu.memref_slice %arg7[%rem3A_47, %dma_wait3A, %dma_wait3A_123] : memref<2x16x125xi32, #tpu.memory_space<vmem>> -> memref<1x16x125xi32, #tpu.memory_space<vmem>>
      %dma_wait3A_125 = tpu.memref_squeeze %dma_wait3A_124 : memref<1x16x125xi32, #tpu.memory_space<vmem>> -> memref<16x125xi32, #tpu.memory_space<vmem>>
      %dma_wait3A_126 = arith.constant 0 : i32
      %dma_wait3A_127 = arith.constant 0 : i32
      %dma_wait3A_128 = tpu.memref_slice %arg3[%add3A, %dma_wait3A_126, %dma_wait3A_127] : memref<32x80x125xi32, #tpu.memory_space<hbm>> -> memref<1x16x125xi32, #tpu.memory_space<hbm>>
      %dma_wait3A_129 = tpu.memref_squeeze %dma_wait3A_128 : memref<1x16x125xi32, #tpu.memory_space<hbm>> -> memref<16x125xi32, #tpu.memory_space<hbm>>
      %dma_wait3A_130 = arith.constant 0 : i32
      %dma_wait3A_131 = arith.constant 0 : i32
      %dma_wait3A_132 = tpu.memref_slice %arg7[%rem3A_47, %dma_wait3A_130, %dma_wait3A_131] : memref<2x16x125xi32, #tpu.memory_space<vmem>> -> memref<1x16x125xi32, #tpu.memory_space<vmem>>
      %dma_wait3A_133 = tpu.memref_squeeze %dma_wait3A_132 : memref<1x16x125xi32, #tpu.memory_space<vmem>> -> memref<16x125xi32, #tpu.memory_space<vmem>>
      %dma_wait3A_134 = arith.constant 0 : i32
      %dma_wait3A_135 = arith.constant 0 : i32
      %dma_wait3A_136 = tpu.memref_slice %arg3[%add3A, %dma_wait3A_134, %dma_wait3A_135] : memref<32x80x125xi32, #tpu.memory_space<hbm>> -> memref<1x16x125xi32, #tpu.memory_space<hbm>>
      %dma_wait3A_137 = tpu.memref_squeeze %dma_wait3A_136 : memref<1x16x125xi32, #tpu.memory_space<hbm>> -> memref<16x125xi32, #tpu.memory_space<hbm>>
      tpu.wait_dma2 semaphore(%run_scoped3A : memref<!tpu.dma_semaphore, #tpu.memory_space<semaphore_mem>>) src(%dma_wait3A_137 : memref<16x125xi32, #tpu.memory_space<hbm>>) dst(%dma_wait3A_133 : memref<16x125xi32, #tpu.memory_space<vmem>>)
      tpu.yield
    }) : () -> ()
    %barrier3A = arith.constant 0 : index
    tpu.barrier barrier_id(%barrier3A)
    %dma_start3A = arith.constant 0 : i32
    %dma_start3A_48 = arith.constant 0 : i32
    %dma_start3A_49 = arith.constant 0 : i32
    %dma_start3A_50 = arith.constant 0 : i32
    %dma_start3A_51 = arith.constant 0 : i32
    %dma_start3A_52 = tpu.memref_slice %arg8[%dma_start3A_49, %dma_start3A_50, %dma_start3A_51] : memref<2x125x128xf32, #tpu.memory_space<vmem>> -> memref<1x125x128xf32, #tpu.memory_space<vmem>>
    %dma_start3A_53 = tpu.memref_squeeze %dma_start3A_52 : memref<1x125x128xf32, #tpu.memory_space<vmem>> -> memref<125x128xf32, #tpu.memory_space<vmem>>
    %dma_start3A_54 = arith.constant 0 : i32
    %dma_start3A_55 = tpu.memref_slice %arg6[%dma_start3A, %dma_start3A_48, %dma_start3A_54] : memref<2x16x125xi32, #tpu.memory_space<vmem>> -> memref<1x1x125xi32, #tpu.memory_space<vmem>>
    %dma_start3A_56 = tpu.memref_squeeze %dma_start3A_55 : memref<1x1x125xi32, #tpu.memory_space<vmem>> -> memref<125xi32, #tpu.memory_space<vmem>>
    %dma_start3A_57 = arith.constant 0 : i32
    %dma_start3A_58 = arith.constant 0 : i32
    %dma_start3A_59 = tpu.memref_slice %arg4[%dma_start3A_57, %dma_start3A_58] : memref<10000x128xf32, #tpu.memory_space<hbm>> -> memref<10000x128xf32, #tpu.memory_space<hbm>>
    tpu.enqueue_indirect_dma source(%dma_start3A_59 : memref<10000x128xf32, #tpu.memory_space<hbm>>) target(%dma_start3A_53 : memref<125x128xf32, #tpu.memory_space<vmem>>) offsets(%dma_start3A_56 : memref<125xi32, #tpu.memory_space<vmem>>) semaphore(%arg11 : memref<!tpu.dma_semaphore, #tpu.memory_space<semaphore_mem>>)
    %scan3A_60 = arith.constant 0 : i32
    %scan3A_61 = arith.constant 0 : i32
    %scan3A_62 = arith.constant 40 : i32
    %scan3A_63 = arith.addi %scan3A_61, %scan3A_62 : i32
    %scan3A_64 = arith.constant 1 : i32
    scf.for %scan3A_107 = %scan3A_61 to %scan3A_63 step %scan3A_64  : i32 {
      %mul3A_108 = arith.constant 2 : i32
      %mul3A_109 = arith.muli %scan3A_107, %mul3A_108 : i32
      %add3A_110 = arith.constant 0 : i32
      %add3A_111 = arith.addi %mul3A_109, %add3A_110 : i32
      %rem3A_112 = arith.constant 16 : i32
      %rem3A_113 = arith.remsi %add3A_111, %rem3A_112 : i32
      %jit3A = arith.constant 16 : i32
      %div3A = arith.divsi %add3A_111, %jit3A : i32
      %sign3A = arith.constant 0 : i32
      %sign3A_114 = arith.cmpi sgt, %add3A_111, %sign3A : i32
      %sign3A_115 = arith.extui %sign3A_114 : i1 to i32
      %sign3A_116 = arith.constant 0 : i32
      %sign3A_117 = arith.cmpi slt, %add3A_111, %sign3A_116 : i32
      %sign3A_118 = arith.extui %sign3A_117 : i1 to i32
      %sign3A_119 = arith.subi %sign3A_115, %sign3A_118 : i32
      %sign3A_120 = arith.constant 0 : i32
      %sign3A_121 = arith.cmpi sgt, %jit3A, %sign3A_120 : i32
      %sign3A_122 = arith.extui %sign3A_121 : i1 to i32
      %sign3A_123 = arith.constant 0 : i32
      %sign3A_124 = arith.cmpi slt, %jit3A, %sign3A_123 : i32
      %sign3A_125 = arith.extui %sign3A_124 : i1 to i32
      %sign3A_126 = arith.subi %sign3A_122, %sign3A_125 : i32
      %ne3A = arith.cmpi ne, %sign3A_119, %sign3A_126 : i32
      %rem3A_127 = arith.remsi %add3A_111, %jit3A : i32
      %ne3A_128 = arith.constant 0 : i32
      %ne3A_129 = arith.cmpi ne, %rem3A_127, %ne3A_128 : i32
      %and3A = arith.andi %ne3A, %ne3A_129 : i1
      %sub3A = arith.constant 1 : i32
      %sub3A_130 = arith.subi %div3A, %sub3A : i32
      %select_n3A = arith.select %and3A, %sub3A_130, %div3A : i32
      %rem3A_131 = arith.constant 2 : i32
      %rem3A_132 = arith.remsi %select_n3A, %rem3A_131 : i32
      %dma_wait3A = arith.constant 0 : i32
      %dma_wait3A_133 = arith.constant 0 : i32
      %dma_wait3A_134 = arith.constant 0 : i32
      %dma_wait3A_135 = tpu.memref_slice %arg8[%dma_wait3A, %dma_wait3A_133, %dma_wait3A_134] : memref<2x125x128xf32, #tpu.memory_space<vmem>> -> memref<1x125x128xf32, #tpu.memory_space<vmem>>
      %dma_wait3A_136 = tpu.memref_squeeze %dma_wait3A_135 : memref<1x125x128xf32, #tpu.memory_space<vmem>> -> memref<125x128xf32, #tpu.memory_space<vmem>>
      %dma_wait3A_137 = arith.constant 0 : i32
      %dma_wait3A_138 = tpu.memref_slice %arg6[%rem3A_132, %rem3A_113, %dma_wait3A_137] : memref<2x16x125xi32, #tpu.memory_space<vmem>> -> memref<1x1x125xi32, #tpu.memory_space<vmem>>
      %dma_wait3A_139 = tpu.memref_squeeze %dma_wait3A_138 : memref<1x1x125xi32, #tpu.memory_space<vmem>> -> memref<125xi32, #tpu.memory_space<vmem>>
      %dma_wait3A_140 = arith.constant 0 : i32
      %dma_wait3A_141 = arith.constant 0 : i32
      %dma_wait3A_142 = tpu.memref_slice %arg4[%dma_wait3A_140, %dma_wait3A_141] : memref<10000x128xf32, #tpu.memory_space<hbm>> -> memref<10000x128xf32, #tpu.memory_space<hbm>>
      tpu.wait_indirect_dma semaphore(%arg11 : memref<!tpu.dma_semaphore, #tpu.memory_space<semaphore_mem>>) src(%dma_wait3A_142 : memref<10000x128xf32, #tpu.memory_space<hbm>>) dst(%dma_wait3A_136 : memref<125x128xf32, #tpu.memory_space<vmem>>)
      %add3A_143 = arith.constant 1 : i32
      %add3A_144 = arith.addi %add3A_111, %add3A_143 : i32
      %lt3A = arith.constant 80 : i32
      %lt3A_145 = arith.cmpi slt, %add3A_144, %lt3A : i32
      %ne3A_146 = arith.constant 15 : i32
      %ne3A_147 = arith.cmpi ne, %rem3A_113, %ne3A_146 : i32
      %and3A_148 = arith.andi %lt3A_145, %ne3A_147 : i1
      %convert_element_type3A = arith.extui %and3A_148 : i1 to i32
      %cond3A = arith.constant 0 : i32
      %cond3A_149 = arith.cmpi ne, %convert_element_type3A, %cond3A : i32
      scf.if %cond3A_149 {
        %add3A_223 = arith.constant 1 : i32
        %add3A_224 = arith.addi %rem3A_113, %add3A_223 : i32
        %dma_start3A_225 = arith.constant 1 : i32
        %dma_start3A_226 = arith.constant 0 : i32
        %dma_start3A_227 = arith.constant 0 : i32
        %dma_start3A_228 = tpu.memref_slice %arg8[%dma_start3A_225, %dma_start3A_226, %dma_start3A_227] : memref<2x125x128xf32, #tpu.memory_space<vmem>> -> memref<1x125x128xf32, #tpu.memory_space<vmem>>
        %dma_start3A_229 = tpu.memref_squeeze %dma_start3A_228 : memref<1x125x128xf32, #tpu.memory_space<vmem>> -> memref<125x128xf32, #tpu.memory_space<vmem>>
        %dma_start3A_230 = arith.constant 0 : i32
        %dma_start3A_231 = tpu.memref_slice %arg6[%rem3A_132, %add3A_224, %dma_start3A_230] : memref<2x16x125xi32, #tpu.memory_space<vmem>> -> memref<1x1x125xi32, #tpu.memory_space<vmem>>
        %dma_start3A_232 = tpu.memref_squeeze %dma_start3A_231 : memref<1x1x125xi32, #tpu.memory_space<vmem>> -> memref<125xi32, #tpu.memory_space<vmem>>
        %dma_start3A_233 = arith.constant 0 : i32
        %dma_start3A_234 = arith.constant 0 : i32
        %dma_start3A_235 = tpu.memref_slice %arg4[%dma_start3A_233, %dma_start3A_234] : memref<10000x128xf32, #tpu.memory_space<hbm>> -> memref<10000x128xf32, #tpu.memory_space<hbm>>
        tpu.enqueue_indirect_dma source(%dma_start3A_235 : memref<10000x128xf32, #tpu.memory_space<hbm>>) target(%dma_start3A_229 : memref<125x128xf32, #tpu.memory_space<vmem>>) offsets(%dma_start3A_232 : memref<125xi32, #tpu.memory_space<vmem>>) semaphore(%arg12 : memref<!tpu.dma_semaphore, #tpu.memory_space<semaphore_mem>>)
      } else {
      }
      %run_scoped3A = arith.constant 0 : i32
      "tpu.region"() ({
        %run_scoped3A_223 = tpu.sem_alloc : memref<!tpu.dma_semaphore, #tpu.memory_space<semaphore_mem>>
        %dma_start3A_224 = arith.constant 0 : i32
        %dma_start3A_225 = arith.constant 0 : i32
        %dma_start3A_226 = tpu.memref_slice %arg8[%run_scoped3A, %dma_start3A_224, %dma_start3A_225] : memref<2x125x128xf32, #tpu.memory_space<vmem>> -> memref<1x125x128xf32, #tpu.memory_space<vmem>>
        %dma_start3A_227 = tpu.memref_squeeze %dma_start3A_226 : memref<1x125x128xf32, #tpu.memory_space<vmem>> -> memref<125x128xf32, #tpu.memory_space<vmem>>
        %dma_start3A_228 = arith.constant 0 : i32
        %dma_start3A_229 = tpu.memref_slice %arg7[%rem3A_132, %rem3A_113, %dma_start3A_228] : memref<2x16x125xi32, #tpu.memory_space<vmem>> -> memref<1x1x125xi32, #tpu.memory_space<vmem>>
        %dma_start3A_230 = tpu.memref_squeeze %dma_start3A_229 : memref<1x1x125xi32, #tpu.memory_space<vmem>> -> memref<125xi32, #tpu.memory_space<vmem>>
        %dma_start3A_231 = arith.constant 0 : i32
        %dma_start3A_232 = arith.constant 0 : i32
        %dma_start3A_233 = tpu.memref_slice %arg10[%dma_start3A_231, %dma_start3A_232] : memref<10112x128xf32, #tpu.memory_space<vmem_shared>> -> memref<10112x128xf32, #tpu.memory_space<vmem_shared>>
        tpu.enqueue_indirect_dma source(%dma_start3A_227 : memref<125x128xf32, #tpu.memory_space<vmem>>) target(%dma_start3A_233 : memref<10112x128xf32, #tpu.memory_space<vmem_shared>>) offsets(%dma_start3A_230 : memref<125xi32, #tpu.memory_space<vmem>>) semaphore(%run_scoped3A_223 : memref<!tpu.dma_semaphore, #tpu.memory_space<semaphore_mem>>) {add = true}
        %dma_wait3A_234 = arith.constant 0 : i32
        %dma_wait3A_235 = arith.constant 0 : i32
        %dma_wait3A_236 = tpu.memref_slice %arg8[%run_scoped3A, %dma_wait3A_234, %dma_wait3A_235] : memref<2x125x128xf32, #tpu.memory_space<vmem>> -> memref<1x125x128xf32, #tpu.memory_space<vmem>>
        %dma_wait3A_237 = tpu.memref_squeeze %dma_wait3A_236 : memref<1x125x128xf32, #tpu.memory_space<vmem>> -> memref<125x128xf32, #tpu.memory_space<vmem>>
        %dma_wait3A_238 = arith.constant 0 : i32
        %dma_wait3A_239 = tpu.memref_slice %arg7[%rem3A_132, %rem3A_113, %dma_wait3A_238] : memref<2x16x125xi32, #tpu.memory_space<vmem>> -> memref<1x1x125xi32, #tpu.memory_space<vmem>>
        %dma_wait3A_240 = tpu.memref_squeeze %dma_wait3A_239 : memref<1x1x125xi32, #tpu.memory_space<vmem>> -> memref<125xi32, #tpu.memory_space<vmem>>
        %dma_wait3A_241 = arith.constant 0 : i32
        %dma_wait3A_242 = arith.constant 0 : i32
        %dma_wait3A_243 = tpu.memref_slice %arg10[%dma_wait3A_241, %dma_wait3A_242] : memref<10112x128xf32, #tpu.memory_space<vmem_shared>> -> memref<10112x128xf32, #tpu.memory_space<vmem_shared>>
        tpu.wait_indirect_dma semaphore(%run_scoped3A_223 : memref<!tpu.dma_semaphore, #tpu.memory_space<semaphore_mem>>) src(%dma_wait3A_237 : memref<125x128xf32, #tpu.memory_space<vmem>>) dst(%dma_wait3A_243 : memref<10112x128xf32, #tpu.memory_space<vmem_shared>>)
        tpu.yield
      }) : () -> ()
      %add3A_150 = arith.constant 1 : i32
      %add3A_151 = arith.addi %add3A_111, %add3A_150 : i32
      %lt3A_152 = arith.constant 80 : i32
      %lt3A_153 = arith.cmpi slt, %add3A_151, %lt3A_152 : i32
      %eq3A = arith.constant 15 : i32
      %eq3A_154 = arith.cmpi eq, %rem3A_113, %eq3A : i32
      %and3A_155 = arith.andi %lt3A_153, %eq3A_154 : i1
      %convert_element_type3A_156 = arith.extui %and3A_155 : i1 to i32
      %cond3A_157 = arith.constant 0 : i32
      %cond3A_158 = arith.cmpi ne, %convert_element_type3A_156, %cond3A_157 : i32
      scf.if %cond3A_158 {
        %add3A_223 = arith.constant 1 : i32
        %add3A_224 = arith.addi %add3A_111, %add3A_223 : i32
        %jit3A_225 = arith.constant 16 : i32
        %div3A_226 = arith.divsi %add3A_224, %jit3A_225 : i32
        %sign3A_227 = arith.constant 0 : i32
        %sign3A_228 = arith.cmpi sgt, %add3A_224, %sign3A_227 : i32
        %sign3A_229 = arith.extui %sign3A_228 : i1 to i32
        %sign3A_230 = arith.constant 0 : i32
        %sign3A_231 = arith.cmpi slt, %add3A_224, %sign3A_230 : i32
        %sign3A_232 = arith.extui %sign3A_231 : i1 to i32
        %sign3A_233 = arith.subi %sign3A_229, %sign3A_232 : i32
        %sign3A_234 = arith.constant 0 : i32
        %sign3A_235 = arith.cmpi sgt, %jit3A_225, %sign3A_234 : i32
        %sign3A_236 = arith.extui %sign3A_235 : i1 to i32
        %sign3A_237 = arith.constant 0 : i32
        %sign3A_238 = arith.cmpi slt, %jit3A_225, %sign3A_237 : i32
        %sign3A_239 = arith.extui %sign3A_238 : i1 to i32
        %sign3A_240 = arith.subi %sign3A_236, %sign3A_239 : i32
        %ne3A_241 = arith.cmpi ne, %sign3A_233, %sign3A_240 : i32
        %rem3A_242 = arith.remsi %add3A_224, %jit3A_225 : i32
        %ne3A_243 = arith.constant 0 : i32
        %ne3A_244 = arith.cmpi ne, %rem3A_242, %ne3A_243 : i32
        %and3A_245 = arith.andi %ne3A_241, %ne3A_244 : i1
        %sub3A_246 = arith.constant 1 : i32
        %sub3A_247 = arith.subi %div3A_226, %sub3A_246 : i32
        %select_n3A_248 = arith.select %and3A_245, %sub3A_247, %div3A_226 : i32
        %rem3A_249 = arith.constant 2 : i32
        %rem3A_250 = arith.remsi %select_n3A_248, %rem3A_249 : i32
        %mul3A_251 = arith.constant 16 : i32
        %mul3A_252 = arith.muli %select_n3A_248, %mul3A_251 : i32
        "tpu.region"() ({
          %run_scoped3A_269 = tpu.sem_alloc : memref<!tpu.dma_semaphore, #tpu.memory_space<semaphore_mem>>
          %dma_start3A_270 = arith.constant 0 : i32
          %dma_start3A_271 = arith.constant 0 : i32
          %dma_start3A_272 = tpu.memref_slice %arg6[%rem3A_250, %dma_start3A_270, %dma_start3A_271] : memref<2x16x125xi32, #tpu.memory_space<vmem>> -> memref<1x16x125xi32, #tpu.memory_space<vmem>>
          %dma_start3A_273 = tpu.memref_squeeze %dma_start3A_272 : memref<1x16x125xi32, #tpu.memory_space<vmem>> -> memref<16x125xi32, #tpu.memory_space<vmem>>
          %dma_start3A_274 = arith.constant 0 : i32
          %dma_start3A_275 = tpu.memref_slice %arg2[%add3A, %mul3A_252, %dma_start3A_274] : memref<32x80x125xi32, #tpu.memory_space<hbm>> -> memref<1x16x125xi32, #tpu.memory_space<hbm>>
          %dma_start3A_276 = tpu.memref_squeeze %dma_start3A_275 : memref<1x16x125xi32, #tpu.memory_space<hbm>> -> memref<16x125xi32, #tpu.memory_space<hbm>>
          %dma_start3A_277 = arith.constant 0 : i32
          %dma_start3A_278 = arith.constant 0 : i32
          %dma_start3A_279 = tpu.memref_slice %arg6[%rem3A_250, %dma_start3A_277, %dma_start3A_278] : memref<2x16x125xi32, #tpu.memory_space<vmem>> -> memref<1x16x125xi32, #tpu.memory_space<vmem>>
          %dma_start3A_280 = tpu.memref_squeeze %dma_start3A_279 : memref<1x16x125xi32, #tpu.memory_space<vmem>> -> memref<16x125xi32, #tpu.memory_space<vmem>>
          %dma_start3A_281 = arith.constant 0 : i32
          %dma_start3A_282 = tpu.memref_slice %arg2[%add3A, %mul3A_252, %dma_start3A_281] : memref<32x80x125xi32, #tpu.memory_space<hbm>> -> memref<1x16x125xi32, #tpu.memory_space<hbm>>
          %dma_start3A_283 = tpu.memref_squeeze %dma_start3A_282 : memref<1x16x125xi32, #tpu.memory_space<hbm>> -> memref<16x125xi32, #tpu.memory_space<hbm>>
          tpu.enqueue_dma source(%dma_start3A_283 : memref<16x125xi32, #tpu.memory_space<hbm>>) target(%dma_start3A_280 : memref<16x125xi32, #tpu.memory_space<vmem>>) target_semaphore(%run_scoped3A_269 : memref<!tpu.dma_semaphore, #tpu.memory_space<semaphore_mem>>)
          %dma_wait3A_284 = arith.constant 0 : i32
          %dma_wait3A_285 = arith.constant 0 : i32
          %dma_wait3A_286 = tpu.memref_slice %arg6[%rem3A_250, %dma_wait3A_284, %dma_wait3A_285] : memref<2x16x125xi32, #tpu.memory_space<vmem>> -> memref<1x16x125xi32, #tpu.memory_space<vmem>>
          %dma_wait3A_287 = tpu.memref_squeeze %dma_wait3A_286 : memref<1x16x125xi32, #tpu.memory_space<vmem>> -> memref<16x125xi32, #tpu.memory_space<vmem>>
          %dma_wait3A_288 = arith.constant 0 : i32
          %dma_wait3A_289 = tpu.memref_slice %arg2[%add3A, %mul3A_252, %dma_wait3A_288] : memref<32x80x125xi32, #tpu.memory_space<hbm>> -> memref<1x16x125xi32, #tpu.memory_space<hbm>>
          %dma_wait3A_290 = tpu.memref_squeeze %dma_wait3A_289 : memref<1x16x125xi32, #tpu.memory_space<hbm>> -> memref<16x125xi32, #tpu.memory_space<hbm>>
          %dma_wait3A_291 = arith.constant 0 : i32
          %dma_wait3A_292 = arith.constant 0 : i32
          %dma_wait3A_293 = tpu.memref_slice %arg6[%rem3A_250, %dma_wait3A_291, %dma_wait3A_292] : memref<2x16x125xi32, #tpu.memory_space<vmem>> -> memref<1x16x125xi32, #tpu.memory_space<vmem>>
          %dma_wait3A_294 = tpu.memref_squeeze %dma_wait3A_293 : memref<1x16x125xi32, #tpu.memory_space<vmem>> -> memref<16x125xi32, #tpu.memory_space<vmem>>
          %dma_wait3A_295 = arith.constant 0 : i32
          %dma_wait3A_296 = tpu.memref_slice %arg2[%add3A, %mul3A_252, %dma_wait3A_295] : memref<32x80x125xi32, #tpu.memory_space<hbm>> -> memref<1x16x125xi32, #tpu.memory_space<hbm>>
          %dma_wait3A_297 = tpu.memref_squeeze %dma_wait3A_296 : memref<1x16x125xi32, #tpu.memory_space<hbm>> -> memref<16x125xi32, #tpu.memory_space<hbm>>
          tpu.wait_dma2 semaphore(%run_scoped3A_269 : memref<!tpu.dma_semaphore, #tpu.memory_space<semaphore_mem>>) src(%dma_wait3A_297 : memref<16x125xi32, #tpu.memory_space<hbm>>) dst(%dma_wait3A_294 : memref<16x125xi32, #tpu.memory_space<vmem>>)
          tpu.yield
        }) : () -> ()
        %mul3A_253 = arith.constant 16 : i32
        %mul3A_254 = arith.muli %select_n3A_248, %mul3A_253 : i32
        "tpu.region"() ({
          %run_scoped3A_269 = tpu.sem_alloc : memref<!tpu.dma_semaphore, #tpu.memory_space<semaphore_mem>>
          %dma_start3A_270 = arith.constant 0 : i32
          %dma_start3A_271 = arith.constant 0 : i32
          %dma_start3A_272 = tpu.memref_slice %arg7[%rem3A_250, %dma_start3A_270, %dma_start3A_271] : memref<2x16x125xi32, #tpu.memory_space<vmem>> -> memref<1x16x125xi32, #tpu.memory_space<vmem>>
          %dma_start3A_273 = tpu.memref_squeeze %dma_start3A_272 : memref<1x16x125xi32, #tpu.memory_space<vmem>> -> memref<16x125xi32, #tpu.memory_space<vmem>>
          %dma_start3A_274 = arith.constant 0 : i32
          %dma_start3A_275 = tpu.memref_slice %arg3[%add3A, %mul3A_254, %dma_start3A_274] : memref<32x80x125xi32, #tpu.memory_space<hbm>> -> memref<1x16x125xi32, #tpu.memory_space<hbm>>
          %dma_start3A_276 = tpu.memref_squeeze %dma_start3A_275 : memref<1x16x125xi32, #tpu.memory_space<hbm>> -> memref<16x125xi32, #tpu.memory_space<hbm>>
          %dma_start3A_277 = arith.constant 0 : i32
          %dma_start3A_278 = arith.constant 0 : i32
          %dma_start3A_279 = tpu.memref_slice %arg7[%rem3A_250, %dma_start3A_277, %dma_start3A_278] : memref<2x16x125xi32, #tpu.memory_space<vmem>> -> memref<1x16x125xi32, #tpu.memory_space<vmem>>
          %dma_start3A_280 = tpu.memref_squeeze %dma_start3A_279 : memref<1x16x125xi32, #tpu.memory_space<vmem>> -> memref<16x125xi32, #tpu.memory_space<vmem>>
          %dma_start3A_281 = arith.constant 0 : i32
          %dma_start3A_282 = tpu.memref_slice %arg3[%add3A, %mul3A_254, %dma_start3A_281] : memref<32x80x125xi32, #tpu.memory_space<hbm>> -> memref<1x16x125xi32, #tpu.memory_space<hbm>>
          %dma_start3A_283 = tpu.memref_squeeze %dma_start3A_282 : memref<1x16x125xi32, #tpu.memory_space<hbm>> -> memref<16x125xi32, #tpu.memory_space<hbm>>
          tpu.enqueue_dma source(%dma_start3A_283 : memref<16x125xi32, #tpu.memory_space<hbm>>) target(%dma_start3A_280 : memref<16x125xi32, #tpu.memory_space<vmem>>) target_semaphore(%run_scoped3A_269 : memref<!tpu.dma_semaphore, #tpu.memory_space<semaphore_mem>>)
          %dma_wait3A_284 = arith.constant 0 : i32
          %dma_wait3A_285 = arith.constant 0 : i32
          %dma_wait3A_286 = tpu.memref_slice %arg7[%rem3A_250, %dma_wait3A_284, %dma_wait3A_285] : memref<2x16x125xi32, #tpu.memory_space<vmem>> -> memref<1x16x125xi32, #tpu.memory_space<vmem>>
          %dma_wait3A_287 = tpu.memref_squeeze %dma_wait3A_286 : memref<1x16x125xi32, #tpu.memory_space<vmem>> -> memref<16x125xi32, #tpu.memory_space<vmem>>
          %dma_wait3A_288 = arith.constant 0 : i32
          %dma_wait3A_289 = tpu.memref_slice %arg3[%add3A, %mul3A_254, %dma_wait3A_288] : memref<32x80x125xi32, #tpu.memory_space<hbm>> -> memref<1x16x125xi32, #tpu.memory_space<hbm>>
          %dma_wait3A_290 = tpu.memref_squeeze %dma_wait3A_289 : memref<1x16x125xi32, #tpu.memory_space<hbm>> -> memref<16x125xi32, #tpu.memory_space<hbm>>
          %dma_wait3A_291 = arith.constant 0 : i32
          %dma_wait3A_292 = arith.constant 0 : i32
          %dma_wait3A_293 = tpu.memref_slice %arg7[%rem3A_250, %dma_wait3A_291, %dma_wait3A_292] : memref<2x16x125xi32, #tpu.memory_space<vmem>> -> memref<1x16x125xi32, #tpu.memory_space<vmem>>
          %dma_wait3A_294 = tpu.memref_squeeze %dma_wait3A_293 : memref<1x16x125xi32, #tpu.memory_space<vmem>> -> memref<16x125xi32, #tpu.memory_space<vmem>>
          %dma_wait3A_295 = arith.constant 0 : i32
          %dma_wait3A_296 = tpu.memref_slice %arg3[%add3A, %mul3A_254, %dma_wait3A_295] : memref<32x80x125xi32, #tpu.memory_space<hbm>> -> memref<1x16x125xi32, #tpu.memory_space<hbm>>
          %dma_wait3A_297 = tpu.memref_squeeze %dma_wait3A_296 : memref<1x16x125xi32, #tpu.memory_space<hbm>> -> memref<16x125xi32, #tpu.memory_space<hbm>>
          tpu.wait_dma2 semaphore(%run_scoped3A_269 : memref<!tpu.dma_semaphore, #tpu.memory_space<semaphore_mem>>) src(%dma_wait3A_297 : memref<16x125xi32, #tpu.memory_space<hbm>>) dst(%dma_wait3A_294 : memref<16x125xi32, #tpu.memory_space<vmem>>)
          tpu.yield
        }) : () -> ()
        %sub3A_255 = arith.constant 1 : i32
        %sub3A_256 = arith.subi %sub3A_255, %rem3A_132 : i32
        %dma_start3A_257 = arith.constant 0 : i32
        %dma_start3A_258 = arith.constant 1 : i32
        %dma_start3A_259 = arith.constant 0 : i32
        %dma_start3A_260 = arith.constant 0 : i32
        %dma_start3A_261 = tpu.memref_slice %arg8[%dma_start3A_258, %dma_start3A_259, %dma_start3A_260] : memref<2x125x128xf32, #tpu.memory_space<vmem>> -> memref<1x125x128xf32, #tpu.memory_space<vmem>>
        %dma_start3A_262 = tpu.memref_squeeze %dma_start3A_261 : memref<1x125x128xf32, #tpu.memory_space<vmem>> -> memref<125x128xf32, #tpu.memory_space<vmem>>
        %dma_start3A_263 = arith.constant 0 : i32
        %dma_start3A_264 = tpu.memref_slice %arg6[%sub3A_256, %dma_start3A_257, %dma_start3A_263] : memref<2x16x125xi32, #tpu.memory_space<vmem>> -> memref<1x1x125xi32, #tpu.memory_space<vmem>>
        %dma_start3A_265 = tpu.memref_squeeze %dma_start3A_264 : memref<1x1x125xi32, #tpu.memory_space<vmem>> -> memref<125xi32, #tpu.memory_space<vmem>>
        %dma_start3A_266 = arith.constant 0 : i32
        %dma_start3A_267 = arith.constant 0 : i32
        %dma_start3A_268 = tpu.memref_slice %arg4[%dma_start3A_266, %dma_start3A_267] : memref<10000x128xf32, #tpu.memory_space<hbm>> -> memref<10000x128xf32, #tpu.memory_space<hbm>>
        tpu.enqueue_indirect_dma source(%dma_start3A_268 : memref<10000x128xf32, #tpu.memory_space<hbm>>) target(%dma_start3A_262 : memref<125x128xf32, #tpu.memory_space<vmem>>) offsets(%dma_start3A_265 : memref<125xi32, #tpu.memory_space<vmem>>) semaphore(%arg12 : memref<!tpu.dma_semaphore, #tpu.memory_space<semaphore_mem>>)
      } else {
      }
      %mul3A_159 = arith.constant 2 : i32
      %mul3A_160 = arith.muli %scan3A_107, %mul3A_159 : i32
      %add3A_161 = arith.constant 1 : i32
      %add3A_162 = arith.addi %mul3A_160, %add3A_161 : i32
      %rem3A_163 = arith.constant 16 : i32
      %rem3A_164 = arith.remsi %add3A_162, %rem3A_163 : i32
      %jit3A_165 = arith.constant 16 : i32
      %div3A_166 = arith.divsi %add3A_162, %jit3A_165 : i32
      %sign3A_167 = arith.constant 0 : i32
      %sign3A_168 = arith.cmpi sgt, %add3A_162, %sign3A_167 : i32
      %sign3A_169 = arith.extui %sign3A_168 : i1 to i32
      %sign3A_170 = arith.constant 0 : i32
      %sign3A_171 = arith.cmpi slt, %add3A_162, %sign3A_170 : i32
      %sign3A_172 = arith.extui %sign3A_171 : i1 to i32
      %sign3A_173 = arith.subi %sign3A_169, %sign3A_172 : i32
      %sign3A_174 = arith.constant 0 : i32
      %sign3A_175 = arith.cmpi sgt, %jit3A_165, %sign3A_174 : i32
      %sign3A_176 = arith.extui %sign3A_175 : i1 to i32
      %sign3A_177 = arith.constant 0 : i32
      %sign3A_178 = arith.cmpi slt, %jit3A_165, %sign3A_177 : i32
      %sign3A_179 = arith.extui %sign3A_178 : i1 to i32
      %sign3A_180 = arith.subi %sign3A_176, %sign3A_179 : i32
      %ne3A_181 = arith.cmpi ne, %sign3A_173, %sign3A_180 : i32
      %rem3A_182 = arith.remsi %add3A_162, %jit3A_165 : i32
      %ne3A_183 = arith.constant 0 : i32
      %ne3A_184 = arith.cmpi ne, %rem3A_182, %ne3A_183 : i32
      %and3A_185 = arith.andi %ne3A_181, %ne3A_184 : i1
      %sub3A_186 = arith.constant 1 : i32
      %sub3A_187 = arith.subi %div3A_166, %sub3A_186 : i32
      %select_n3A_188 = arith.select %and3A_185, %sub3A_187, %div3A_166 : i32
      %rem3A_189 = arith.constant 2 : i32
      %rem3A_190 = arith.remsi %select_n3A_188, %rem3A_189 : i32
      %dma_wait3A_191 = arith.constant 1 : i32
      %dma_wait3A_192 = arith.constant 0 : i32
      %dma_wait3A_193 = arith.constant 0 : i32
      %dma_wait3A_194 = tpu.memref_slice %arg8[%dma_wait3A_191, %dma_wait3A_192, %dma_wait3A_193] : memref<2x125x128xf32, #tpu.memory_space<vmem>> -> memref<1x125x128xf32, #tpu.memory_space<vmem>>
      %dma_wait3A_195 = tpu.memref_squeeze %dma_wait3A_194 : memref<1x125x128xf32, #tpu.memory_space<vmem>> -> memref<125x128xf32, #tpu.memory_space<vmem>>
      %dma_wait3A_196 = arith.constant 0 : i32
      %dma_wait3A_197 = tpu.memref_slice %arg6[%rem3A_190, %rem3A_164, %dma_wait3A_196] : memref<2x16x125xi32, #tpu.memory_space<vmem>> -> memref<1x1x125xi32, #tpu.memory_space<vmem>>
      %dma_wait3A_198 = tpu.memref_squeeze %dma_wait3A_197 : memref<1x1x125xi32, #tpu.memory_space<vmem>> -> memref<125xi32, #tpu.memory_space<vmem>>
      %dma_wait3A_199 = arith.constant 0 : i32
      %dma_wait3A_200 = arith.constant 0 : i32
      %dma_wait3A_201 = tpu.memref_slice %arg4[%dma_wait3A_199, %dma_wait3A_200] : memref<10000x128xf32, #tpu.memory_space<hbm>> -> memref<10000x128xf32, #tpu.memory_space<hbm>>
      tpu.wait_indirect_dma semaphore(%arg12 : memref<!tpu.dma_semaphore, #tpu.memory_space<semaphore_mem>>) src(%dma_wait3A_201 : memref<10000x128xf32, #tpu.memory_space<hbm>>) dst(%dma_wait3A_195 : memref<125x128xf32, #tpu.memory_space<vmem>>)
      %add3A_202 = arith.constant 1 : i32
      %add3A_203 = arith.addi %add3A_162, %add3A_202 : i32
      %lt3A_204 = arith.constant 80 : i32
      %lt3A_205 = arith.cmpi slt, %add3A_203, %lt3A_204 : i32
      %ne3A_206 = arith.constant 15 : i32
      %ne3A_207 = arith.cmpi ne, %rem3A_164, %ne3A_206 : i32
      %and3A_208 = arith.andi %lt3A_205, %ne3A_207 : i1
      %convert_element_type3A_209 = arith.extui %and3A_208 : i1 to i32
      %cond3A_210 = arith.constant 0 : i32
      %cond3A_211 = arith.cmpi ne, %convert_element_type3A_209, %cond3A_210 : i32
      scf.if %cond3A_211 {
        %add3A_223 = arith.constant 1 : i32
        %add3A_224 = arith.addi %rem3A_164, %add3A_223 : i32
        %dma_start3A_225 = arith.constant 0 : i32
        %dma_start3A_226 = arith.constant 0 : i32
        %dma_start3A_227 = arith.constant 0 : i32
        %dma_start3A_228 = tpu.memref_slice %arg8[%dma_start3A_225, %dma_start3A_226, %dma_start3A_227] : memref<2x125x128xf32, #tpu.memory_space<vmem>> -> memref<1x125x128xf32, #tpu.memory_space<vmem>>
        %dma_start3A_229 = tpu.memref_squeeze %dma_start3A_228 : memref<1x125x128xf32, #tpu.memory_space<vmem>> -> memref<125x128xf32, #tpu.memory_space<vmem>>
        %dma_start3A_230 = arith.constant 0 : i32
        %dma_start3A_231 = tpu.memref_slice %arg6[%rem3A_190, %add3A_224, %dma_start3A_230] : memref<2x16x125xi32, #tpu.memory_space<vmem>> -> memref<1x1x125xi32, #tpu.memory_space<vmem>>
        %dma_start3A_232 = tpu.memref_squeeze %dma_start3A_231 : memref<1x1x125xi32, #tpu.memory_space<vmem>> -> memref<125xi32, #tpu.memory_space<vmem>>
        %dma_start3A_233 = arith.constant 0 : i32
        %dma_start3A_234 = arith.constant 0 : i32
        %dma_start3A_235 = tpu.memref_slice %arg4[%dma_start3A_233, %dma_start3A_234] : memref<10000x128xf32, #tpu.memory_space<hbm>> -> memref<10000x128xf32, #tpu.memory_space<hbm>>
        tpu.enqueue_indirect_dma source(%dma_start3A_235 : memref<10000x128xf32, #tpu.memory_space<hbm>>) target(%dma_start3A_229 : memref<125x128xf32, #tpu.memory_space<vmem>>) offsets(%dma_start3A_232 : memref<125xi32, #tpu.memory_space<vmem>>) semaphore(%arg11 : memref<!tpu.dma_semaphore, #tpu.memory_space<semaphore_mem>>)
      } else {
      }
      %run_scoped3A_212 = arith.constant 1 : i32
      "tpu.region"() ({
        %run_scoped3A_223 = tpu.sem_alloc : memref<!tpu.dma_semaphore, #tpu.memory_space<semaphore_mem>>
        %dma_start3A_224 = arith.constant 0 : i32
        %dma_start3A_225 = arith.constant 0 : i32
        %dma_start3A_226 = tpu.memref_slice %arg8[%run_scoped3A_212, %dma_start3A_224, %dma_start3A_225] : memref<2x125x128xf32, #tpu.memory_space<vmem>> -> memref<1x125x128xf32, #tpu.memory_space<vmem>>
        %dma_start3A_227 = tpu.memref_squeeze %dma_start3A_226 : memref<1x125x128xf32, #tpu.memory_space<vmem>> -> memref<125x128xf32, #tpu.memory_space<vmem>>
        %dma_start3A_228 = arith.constant 0 : i32
        %dma_start3A_229 = tpu.memref_slice %arg7[%rem3A_190, %rem3A_164, %dma_start3A_228] : memref<2x16x125xi32, #tpu.memory_space<vmem>> -> memref<1x1x125xi32, #tpu.memory_space<vmem>>
        %dma_start3A_230 = tpu.memref_squeeze %dma_start3A_229 : memref<1x1x125xi32, #tpu.memory_space<vmem>> -> memref<125xi32, #tpu.memory_space<vmem>>
        %dma_start3A_231 = arith.constant 0 : i32
        %dma_start3A_232 = arith.constant 0 : i32
        %dma_start3A_233 = tpu.memref_slice %arg10[%dma_start3A_231, %dma_start3A_232] : memref<10112x128xf32, #tpu.memory_space<vmem_shared>> -> memref<10112x128xf32, #tpu.memory_space<vmem_shared>>
        tpu.enqueue_indirect_dma source(%dma_start3A_227 : memref<125x128xf32, #tpu.memory_space<vmem>>) target(%dma_start3A_233 : memref<10112x128xf32, #tpu.memory_space<vmem_shared>>) offsets(%dma_start3A_230 : memref<125xi32, #tpu.memory_space<vmem>>) semaphore(%run_scoped3A_223 : memref<!tpu.dma_semaphore, #tpu.memory_space<semaphore_mem>>) {add = true}
        %dma_wait3A_234 = arith.constant 0 : i32
        %dma_wait3A_235 = arith.constant 0 : i32
        %dma_wait3A_236 = tpu.memref_slice %arg8[%run_scoped3A_212, %dma_wait3A_234, %dma_wait3A_235] : memref<2x125x128xf32, #tpu.memory_space<vmem>> -> memref<1x125x128xf32, #tpu.memory_space<vmem>>
        %dma_wait3A_237 = tpu.memref_squeeze %dma_wait3A_236 : memref<1x125x128xf32, #tpu.memory_space<vmem>> -> memref<125x128xf32, #tpu.memory_space<vmem>>
        %dma_wait3A_238 = arith.constant 0 : i32
        %dma_wait3A_239 = tpu.memref_slice %arg7[%rem3A_190, %rem3A_164, %dma_wait3A_238] : memref<2x16x125xi32, #tpu.memory_space<vmem>> -> memref<1x1x125xi32, #tpu.memory_space<vmem>>
        %dma_wait3A_240 = tpu.memref_squeeze %dma_wait3A_239 : memref<1x1x125xi32, #tpu.memory_space<vmem>> -> memref<125xi32, #tpu.memory_space<vmem>>
        %dma_wait3A_241 = arith.constant 0 : i32
        %dma_wait3A_242 = arith.constant 0 : i32
        %dma_wait3A_243 = tpu.memref_slice %arg10[%dma_wait3A_241, %dma_wait3A_242] : memref<10112x128xf32, #tpu.memory_space<vmem_shared>> -> memref<10112x128xf32, #tpu.memory_space<vmem_shared>>
        tpu.wait_indirect_dma semaphore(%run_scoped3A_223 : memref<!tpu.dma_semaphore, #tpu.memory_space<semaphore_mem>>) src(%dma_wait3A_237 : memref<125x128xf32, #tpu.memory_space<vmem>>) dst(%dma_wait3A_243 : memref<10112x128xf32, #tpu.memory_space<vmem_shared>>)
        tpu.yield
      }) : () -> ()
      %add3A_213 = arith.constant 1 : i32
      %add3A_214 = arith.addi %add3A_162, %add3A_213 : i32
      %lt3A_215 = arith.constant 80 : i32
      %lt3A_216 = arith.cmpi slt, %add3A_214, %lt3A_215 : i32
      %eq3A_217 = arith.constant 15 : i32
      %eq3A_218 = arith.cmpi eq, %rem3A_164, %eq3A_217 : i32
      %and3A_219 = arith.andi %lt3A_216, %eq3A_218 : i1
      %convert_element_type3A_220 = arith.extui %and3A_219 : i1 to i32
      %cond3A_221 = arith.constant 0 : i32
      %cond3A_222 = arith.cmpi ne, %convert_element_type3A_220, %cond3A_221 : i32
      scf.if %cond3A_222 {
        %add3A_223 = arith.constant 1 : i32
        %add3A_224 = arith.addi %add3A_162, %add3A_223 : i32
        %jit3A_225 = arith.constant 16 : i32
        %div3A_226 = arith.divsi %add3A_224, %jit3A_225 : i32
        %sign3A_227 = arith.constant 0 : i32
        %sign3A_228 = arith.cmpi sgt, %add3A_224, %sign3A_227 : i32
        %sign3A_229 = arith.extui %sign3A_228 : i1 to i32
        %sign3A_230 = arith.constant 0 : i32
        %sign3A_231 = arith.cmpi slt, %add3A_224, %sign3A_230 : i32
        %sign3A_232 = arith.extui %sign3A_231 : i1 to i32
        %sign3A_233 = arith.subi %sign3A_229, %sign3A_232 : i32
        %sign3A_234 = arith.constant 0 : i32
        %sign3A_235 = arith.cmpi sgt, %jit3A_225, %sign3A_234 : i32
        %sign3A_236 = arith.extui %sign3A_235 : i1 to i32
        %sign3A_237 = arith.constant 0 : i32
        %sign3A_238 = arith.cmpi slt, %jit3A_225, %sign3A_237 : i32
        %sign3A_239 = arith.extui %sign3A_238 : i1 to i32
        %sign3A_240 = arith.subi %sign3A_236, %sign3A_239 : i32
        %ne3A_241 = arith.cmpi ne, %sign3A_233, %sign3A_240 : i32
        %rem3A_242 = arith.remsi %add3A_224, %jit3A_225 : i32
        %ne3A_243 = arith.constant 0 : i32
        %ne3A_244 = arith.cmpi ne, %rem3A_242, %ne3A_243 : i32
        %and3A_245 = arith.andi %ne3A_241, %ne3A_244 : i1
        %sub3A_246 = arith.constant 1 : i32
        %sub3A_247 = arith.subi %div3A_226, %sub3A_246 : i32
        %select_n3A_248 = arith.select %and3A_245, %sub3A_247, %div3A_226 : i32
        %rem3A_249 = arith.constant 2 : i32
        %rem3A_250 = arith.remsi %select_n3A_248, %rem3A_249 : i32
        %mul3A_251 = arith.constant 16 : i32
        %mul3A_252 = arith.muli %select_n3A_248, %mul3A_251 : i32
        "tpu.region"() ({
          %run_scoped3A_269 = tpu.sem_alloc : memref<!tpu.dma_semaphore, #tpu.memory_space<semaphore_mem>>
          %dma_start3A_270 = arith.constant 0 : i32
          %dma_start3A_271 = arith.constant 0 : i32
          %dma_start3A_272 = tpu.memref_slice %arg6[%rem3A_250, %dma_start3A_270, %dma_start3A_271] : memref<2x16x125xi32, #tpu.memory_space<vmem>> -> memref<1x16x125xi32, #tpu.memory_space<vmem>>
          %dma_start3A_273 = tpu.memref_squeeze %dma_start3A_272 : memref<1x16x125xi32, #tpu.memory_space<vmem>> -> memref<16x125xi32, #tpu.memory_space<vmem>>
          %dma_start3A_274 = arith.constant 0 : i32
          %dma_start3A_275 = tpu.memref_slice %arg2[%add3A, %mul3A_252, %dma_start3A_274] : memref<32x80x125xi32, #tpu.memory_space<hbm>> -> memref<1x16x125xi32, #tpu.memory_space<hbm>>
          %dma_start3A_276 = tpu.memref_squeeze %dma_start3A_275 : memref<1x16x125xi32, #tpu.memory_space<hbm>> -> memref<16x125xi32, #tpu.memory_space<hbm>>
          %dma_start3A_277 = arith.constant 0 : i32
          %dma_start3A_278 = arith.constant 0 : i32
          %dma_start3A_279 = tpu.memref_slice %arg6[%rem3A_250, %dma_start3A_277, %dma_start3A_278] : memref<2x16x125xi32, #tpu.memory_space<vmem>> -> memref<1x16x125xi32, #tpu.memory_space<vmem>>
          %dma_start3A_280 = tpu.memref_squeeze %dma_start3A_279 : memref<1x16x125xi32, #tpu.memory_space<vmem>> -> memref<16x125xi32, #tpu.memory_space<vmem>>
          %dma_start3A_281 = arith.constant 0 : i32
          %dma_start3A_282 = tpu.memref_slice %arg2[%add3A, %mul3A_252, %dma_start3A_281] : memref<32x80x125xi32, #tpu.memory_space<hbm>> -> memref<1x16x125xi32, #tpu.memory_space<hbm>>
          %dma_start3A_283 = tpu.memref_squeeze %dma_start3A_282 : memref<1x16x125xi32, #tpu.memory_space<hbm>> -> memref<16x125xi32, #tpu.memory_space<hbm>>
          tpu.enqueue_dma source(%dma_start3A_283 : memref<16x125xi32, #tpu.memory_space<hbm>>) target(%dma_start3A_280 : memref<16x125xi32, #tpu.memory_space<vmem>>) target_semaphore(%run_scoped3A_269 : memref<!tpu.dma_semaphore, #tpu.memory_space<semaphore_mem>>)
          %dma_wait3A_284 = arith.constant 0 : i32
          %dma_wait3A_285 = arith.constant 0 : i32
          %dma_wait3A_286 = tpu.memref_slice %arg6[%rem3A_250, %dma_wait3A_284, %dma_wait3A_285] : memref<2x16x125xi32, #tpu.memory_space<vmem>> -> memref<1x16x125xi32, #tpu.memory_space<vmem>>
          %dma_wait3A_287 = tpu.memref_squeeze %dma_wait3A_286 : memref<1x16x125xi32, #tpu.memory_space<vmem>> -> memref<16x125xi32, #tpu.memory_space<vmem>>
          %dma_wait3A_288 = arith.constant 0 : i32
          %dma_wait3A_289 = tpu.memref_slice %arg2[%add3A, %mul3A_252, %dma_wait3A_288] : memref<32x80x125xi32, #tpu.memory_space<hbm>> -> memref<1x16x125xi32, #tpu.memory_space<hbm>>
          %dma_wait3A_290 = tpu.memref_squeeze %dma_wait3A_289 : memref<1x16x125xi32, #tpu.memory_space<hbm>> -> memref<16x125xi32, #tpu.memory_space<hbm>>
          %dma_wait3A_291 = arith.constant 0 : i32
          %dma_wait3A_292 = arith.constant 0 : i32
          %dma_wait3A_293 = tpu.memref_slice %arg6[%rem3A_250, %dma_wait3A_291, %dma_wait3A_292] : memref<2x16x125xi32, #tpu.memory_space<vmem>> -> memref<1x16x125xi32, #tpu.memory_space<vmem>>
          %dma_wait3A_294 = tpu.memref_squeeze %dma_wait3A_293 : memref<1x16x125xi32, #tpu.memory_space<vmem>> -> memref<16x125xi32, #tpu.memory_space<vmem>>
          %dma_wait3A_295 = arith.constant 0 : i32
          %dma_wait3A_296 = tpu.memref_slice %arg2[%add3A, %mul3A_252, %dma_wait3A_295] : memref<32x80x125xi32, #tpu.memory_space<hbm>> -> memref<1x16x125xi32, #tpu.memory_space<hbm>>
          %dma_wait3A_297 = tpu.memref_squeeze %dma_wait3A_296 : memref<1x16x125xi32, #tpu.memory_space<hbm>> -> memref<16x125xi32, #tpu.memory_space<hbm>>
          tpu.wait_dma2 semaphore(%run_scoped3A_269 : memref<!tpu.dma_semaphore, #tpu.memory_space<semaphore_mem>>) src(%dma_wait3A_297 : memref<16x125xi32, #tpu.memory_space<hbm>>) dst(%dma_wait3A_294 : memref<16x125xi32, #tpu.memory_space<vmem>>)
          tpu.yield
        }) : () -> ()
        %mul3A_253 = arith.constant 16 : i32
        %mul3A_254 = arith.muli %select_n3A_248, %mul3A_253 : i32
        "tpu.region"() ({
          %run_scoped3A_269 = tpu.sem_alloc : memref<!tpu.dma_semaphore, #tpu.memory_space<semaphore_mem>>
          %dma_start3A_270 = arith.constant 0 : i32
          %dma_start3A_271 = arith.constant 0 : i32
          %dma_start3A_272 = tpu.memref_slice %arg7[%rem3A_250, %dma_start3A_270, %dma_start3A_271] : memref<2x16x125xi32, #tpu.memory_space<vmem>> -> memref<1x16x125xi32, #tpu.memory_space<vmem>>
          %dma_start3A_273 = tpu.memref_squeeze %dma_start3A_272 : memref<1x16x125xi32, #tpu.memory_space<vmem>> -> memref<16x125xi32, #tpu.memory_space<vmem>>
          %dma_start3A_274 = arith.constant 0 : i32
          %dma_start3A_275 = tpu.memref_slice %arg3[%add3A, %mul3A_254, %dma_start3A_274] : memref<32x80x125xi32, #tpu.memory_space<hbm>> -> memref<1x16x125xi32, #tpu.memory_space<hbm>>
          %dma_start3A_276 = tpu.memref_squeeze %dma_start3A_275 : memref<1x16x125xi32, #tpu.memory_space<hbm>> -> memref<16x125xi32, #tpu.memory_space<hbm>>
          %dma_start3A_277 = arith.constant 0 : i32
          %dma_start3A_278 = arith.constant 0 : i32
          %dma_start3A_279 = tpu.memref_slice %arg7[%rem3A_250, %dma_start3A_277, %dma_start3A_278] : memref<2x16x125xi32, #tpu.memory_space<vmem>> -> memref<1x16x125xi32, #tpu.memory_space<vmem>>
          %dma_start3A_280 = tpu.memref_squeeze %dma_start3A_279 : memref<1x16x125xi32, #tpu.memory_space<vmem>> -> memref<16x125xi32, #tpu.memory_space<vmem>>
          %dma_start3A_281 = arith.constant 0 : i32
          %dma_start3A_282 = tpu.memref_slice %arg3[%add3A, %mul3A_254, %dma_start3A_281] : memref<32x80x125xi32, #tpu.memory_space<hbm>> -> memref<1x16x125xi32, #tpu.memory_space<hbm>>
          %dma_start3A_283 = tpu.memref_squeeze %dma_start3A_282 : memref<1x16x125xi32, #tpu.memory_space<hbm>> -> memref<16x125xi32, #tpu.memory_space<hbm>>
          tpu.enqueue_dma source(%dma_start3A_283 : memref<16x125xi32, #tpu.memory_space<hbm>>) target(%dma_start3A_280 : memref<16x125xi32, #tpu.memory_space<vmem>>) target_semaphore(%run_scoped3A_269 : memref<!tpu.dma_semaphore, #tpu.memory_space<semaphore_mem>>)
          %dma_wait3A_284 = arith.constant 0 : i32
          %dma_wait3A_285 = arith.constant 0 : i32
          %dma_wait3A_286 = tpu.memref_slice %arg7[%rem3A_250, %dma_wait3A_284, %dma_wait3A_285] : memref<2x16x125xi32, #tpu.memory_space<vmem>> -> memref<1x16x125xi32, #tpu.memory_space<vmem>>
          %dma_wait3A_287 = tpu.memref_squeeze %dma_wait3A_286 : memref<1x16x125xi32, #tpu.memory_space<vmem>> -> memref<16x125xi32, #tpu.memory_space<vmem>>
          %dma_wait3A_288 = arith.constant 0 : i32
          %dma_wait3A_289 = tpu.memref_slice %arg3[%add3A, %mul3A_254, %dma_wait3A_288] : memref<32x80x125xi32, #tpu.memory_space<hbm>> -> memref<1x16x125xi32, #tpu.memory_space<hbm>>
          %dma_wait3A_290 = tpu.memref_squeeze %dma_wait3A_289 : memref<1x16x125xi32, #tpu.memory_space<hbm>> -> memref<16x125xi32, #tpu.memory_space<hbm>>
          %dma_wait3A_291 = arith.constant 0 : i32
          %dma_wait3A_292 = arith.constant 0 : i32
          %dma_wait3A_293 = tpu.memref_slice %arg7[%rem3A_250, %dma_wait3A_291, %dma_wait3A_292] : memref<2x16x125xi32, #tpu.memory_space<vmem>> -> memref<1x16x125xi32, #tpu.memory_space<vmem>>
          %dma_wait3A_294 = tpu.memref_squeeze %dma_wait3A_293 : memref<1x16x125xi32, #tpu.memory_space<vmem>> -> memref<16x125xi32, #tpu.memory_space<vmem>>
          %dma_wait3A_295 = arith.constant 0 : i32
          %dma_wait3A_296 = tpu.memref_slice %arg3[%add3A, %mul3A_254, %dma_wait3A_295] : memref<32x80x125xi32, #tpu.memory_space<hbm>> -> memref<1x16x125xi32, #tpu.memory_space<hbm>>
          %dma_wait3A_297 = tpu.memref_squeeze %dma_wait3A_296 : memref<1x16x125xi32, #tpu.memory_space<hbm>> -> memref<16x125xi32, #tpu.memory_space<hbm>>
          tpu.wait_dma2 semaphore(%run_scoped3A_269 : memref<!tpu.dma_semaphore, #tpu.memory_space<semaphore_mem>>) src(%dma_wait3A_297 : memref<16x125xi32, #tpu.memory_space<hbm>>) dst(%dma_wait3A_294 : memref<16x125xi32, #tpu.memory_space<vmem>>)
          tpu.yield
        }) : () -> ()
        %sub3A_255 = arith.constant 1 : i32
        %sub3A_256 = arith.subi %sub3A_255, %rem3A_190 : i32
        %dma_start3A_257 = arith.constant 0 : i32
        %dma_start3A_258 = arith.constant 0 : i32
        %dma_start3A_259 = arith.constant 0 : i32
        %dma_start3A_260 = arith.constant 0 : i32
        %dma_start3A_261 = tpu.memref_slice %arg8[%dma_start3A_258, %dma_start3A_259, %dma_start3A_260] : memref<2x125x128xf32, #tpu.memory_space<vmem>> -> memref<1x125x128xf32, #tpu.memory_space<vmem>>
        %dma_start3A_262 = tpu.memref_squeeze %dma_start3A_261 : memref<1x125x128xf32, #tpu.memory_space<vmem>> -> memref<125x128xf32, #tpu.memory_space<vmem>>
        %dma_start3A_263 = arith.constant 0 : i32
        %dma_start3A_264 = tpu.memref_slice %arg6[%sub3A_256, %dma_start3A_257, %dma_start3A_263] : memref<2x16x125xi32, #tpu.memory_space<vmem>> -> memref<1x1x125xi32, #tpu.memory_space<vmem>>
        %dma_start3A_265 = tpu.memref_squeeze %dma_start3A_264 : memref<1x1x125xi32, #tpu.memory_space<vmem>> -> memref<125xi32, #tpu.memory_space<vmem>>
        %dma_start3A_266 = arith.constant 0 : i32
        %dma_start3A_267 = arith.constant 0 : i32
        %dma_start3A_268 = tpu.memref_slice %arg4[%dma_start3A_266, %dma_start3A_267] : memref<10000x128xf32, #tpu.memory_space<hbm>> -> memref<10000x128xf32, #tpu.memory_space<hbm>>
        tpu.enqueue_indirect_dma source(%dma_start3A_268 : memref<10000x128xf32, #tpu.memory_space<hbm>>) target(%dma_start3A_262 : memref<125x128xf32, #tpu.memory_space<vmem>>) offsets(%dma_start3A_265 : memref<125xi32, #tpu.memory_space<vmem>>) semaphore(%arg11 : memref<!tpu.dma_semaphore, #tpu.memory_space<semaphore_mem>>)
      } else {
      }
    }
    %scan3A_65 = arith.constant 40 : i32
    %barrier3A_66 = arith.constant 0 : index
    tpu.barrier barrier_id(%barrier3A_66)
    %mul3A_67 = arith.constant 632 : i32
    %mul3A_68 = arith.muli %arg1, %mul3A_67 : i32
    %add3A_69 = arith.constant 0 : i32
    %add3A_70 = arith.addi %mul3A_68, %add3A_69 : i32
    "tpu.region"() ({
      %run_scoped3A = tpu.sem_alloc : memref<!tpu.dma_semaphore, #tpu.memory_space<semaphore_mem>>
      %dma_start3A_107 = arith.constant 0 : i32
      %dma_start3A_108 = tpu.memref_slice %arg10[%add3A_70, %dma_start3A_107] : memref<10112x128xf32, #tpu.memory_space<vmem_shared>> -> memref<64x128xf32, #tpu.memory_space<vmem_shared>>
      %dma_start3A_109 = arith.constant 0 : i32
      %dma_start3A_110 = tpu.memref_slice %arg10[%add3A_70, %dma_start3A_109] : memref<10112x128xf32, #tpu.memory_space<vmem_shared>> -> memref<64x128xf32, #tpu.memory_space<vmem_shared>>
      tpu.enqueue_dma source(%dma_start3A_110 : memref<64x128xf32, #tpu.memory_space<vmem_shared>>) target(%arg9 : memref<64x128xf32, #tpu.memory_space<vmem>>) target_semaphore(%run_scoped3A : memref<!tpu.dma_semaphore, #tpu.memory_space<semaphore_mem>>)
      %dma_wait3A = arith.constant 0 : i32
      %dma_wait3A_111 = tpu.memref_slice %arg10[%add3A_70, %dma_wait3A] : memref<10112x128xf32, #tpu.memory_space<vmem_shared>> -> memref<64x128xf32, #tpu.memory_space<vmem_shared>>
      %dma_wait3A_112 = arith.constant 0 : i32
      %dma_wait3A_113 = tpu.memref_slice %arg10[%add3A_70, %dma_wait3A_112] : memref<10112x128xf32, #tpu.memory_space<vmem_shared>> -> memref<64x128xf32, #tpu.memory_space<vmem_shared>>
      tpu.wait_dma2 semaphore(%run_scoped3A : memref<!tpu.dma_semaphore, #tpu.memory_space<semaphore_mem>>) src(%dma_wait3A_113 : memref<64x128xf32, #tpu.memory_space<vmem_shared>>) dst(%arg9 : memref<64x128xf32, #tpu.memory_space<vmem>>)
      tpu.yield
    }) : () -> ()
    "tpu.region"() ({
      %run_scoped3A = tpu.sem_alloc : memref<!tpu.dma_semaphore, #tpu.memory_space<semaphore_mem>>
      %dma_start3A_107 = arith.constant 0 : i32
      %dma_start3A_108 = tpu.memref_slice %arg5[%arg0, %add3A_70, %dma_start3A_107] : memref<2x10112x128xf32, #tpu.memory_space<hbm>> -> memref<1x64x128xf32, #tpu.memory_space<hbm>>
      %dma_start3A_109 = tpu.memref_squeeze %dma_start3A_108 : memref<1x64x128xf32, #tpu.memory_space<hbm>> -> memref<64x128xf32, #tpu.memory_space<hbm>>
      %dma_start3A_110 = arith.constant 0 : i32
      %dma_start3A_111 = tpu.memref_slice %arg5[%arg0, %add3A_70, %dma_start3A_110] : memref<2x10112x128xf32, #tpu.memory_space<hbm>> -> memref<1x64x128xf32, #tpu.memory_space<hbm>>
      %dma_start3A_112 = tpu.memref_squeeze %dma_start3A_111 : memref<1x64x128xf32, #tpu.memory_space<hbm>> -> memref<64x128xf32, #tpu.memory_space<hbm>>
      tpu.enqueue_dma source(%arg9 : memref<64x128xf32, #tpu.memory_space<vmem>>) target(%dma_start3A_112 : memref<64x128xf32, #tpu.memory_space<hbm>>) target_semaphore(%run_scoped3A : memref<!tpu.dma_semaphore, #tpu.memory_space<semaphore_mem>>)
      %dma_wait3A = arith.constant 0 : i32
      %dma_wait3A_113 = tpu.memref_slice %arg5[%arg0, %add3A_70, %dma_wait3A] : memref<2x10112x128xf32, #tpu.memory_space<hbm>> -> memref<1x64x128xf32, #tpu.memory_space<hbm>>
      %dma_wait3A_114 = tpu.memref_squeeze %dma_wait3A_113 : memref<1x64x128xf32, #tpu.memory_space<hbm>> -> memref<64x128xf32, #tpu.memory_space<hbm>>
      %dma_wait3A_115 = arith.constant 0 : i32
      %dma_wait3A_116 = tpu.memref_slice %arg5[%arg0, %add3A_70, %dma_wait3A_115] : memref<2x10112x128xf32, #tpu.memory_space<hbm>> -> memref<1x64x128xf32, #tpu.memory_space<hbm>>
      %dma_wait3A_117 = tpu.memref_squeeze %dma_wait3A_116 : memref<1x64x128xf32, #tpu.memory_space<hbm>> -> memref<64x128xf32, #tpu.memory_space<hbm>>
      tpu.wait_dma2 semaphore(%run_scoped3A : memref<!tpu.dma_semaphore, #tpu.memory_space<semaphore_mem>>) src(%arg9 : memref<64x128xf32, #tpu.memory_space<vmem>>) dst(%dma_wait3A_117 : memref<64x128xf32, #tpu.memory_space<hbm>>)
      tpu.yield
    }) : () -> ()
    %mul3A_71 = arith.constant 632 : i32
    %mul3A_72 = arith.muli %arg1, %mul3A_71 : i32
    %add3A_73 = arith.constant 64 : i32
    %add3A_74 = arith.addi %mul3A_72, %add3A_73 : i32
    "tpu.region"() ({
      %run_scoped3A = tpu.sem_alloc : memref<!tpu.dma_semaphore, #tpu.memory_space<semaphore_mem>>
      %dma_start3A_107 = arith.constant 0 : i32
      %dma_start3A_108 = tpu.memref_slice %arg10[%add3A_74, %dma_start3A_107] : memref<10112x128xf32, #tpu.memory_space<vmem_shared>> -> memref<64x128xf32, #tpu.memory_space<vmem_shared>>
      %dma_start3A_109 = arith.constant 0 : i32
      %dma_start3A_110 = tpu.memref_slice %arg10[%add3A_74, %dma_start3A_109] : memref<10112x128xf32, #tpu.memory_space<vmem_shared>> -> memref<64x128xf32, #tpu.memory_space<vmem_shared>>
      tpu.enqueue_dma source(%dma_start3A_110 : memref<64x128xf32, #tpu.memory_space<vmem_shared>>) target(%arg9 : memref<64x128xf32, #tpu.memory_space<vmem>>) target_semaphore(%run_scoped3A : memref<!tpu.dma_semaphore, #tpu.memory_space<semaphore_mem>>)
      %dma_wait3A = arith.constant 0 : i32
      %dma_wait3A_111 = tpu.memref_slice %arg10[%add3A_74, %dma_wait3A] : memref<10112x128xf32, #tpu.memory_space<vmem_shared>> -> memref<64x128xf32, #tpu.memory_space<vmem_shared>>
      %dma_wait3A_112 = arith.constant 0 : i32
      %dma_wait3A_113 = tpu.memref_slice %arg10[%add3A_74, %dma_wait3A_112] : memref<10112x128xf32, #tpu.memory_space<vmem_shared>> -> memref<64x128xf32, #tpu.memory_space<vmem_shared>>
      tpu.wait_dma2 semaphore(%run_scoped3A : memref<!tpu.dma_semaphore, #tpu.memory_space<semaphore_mem>>) src(%dma_wait3A_113 : memref<64x128xf32, #tpu.memory_space<vmem_shared>>) dst(%arg9 : memref<64x128xf32, #tpu.memory_space<vmem>>)
      tpu.yield
    }) : () -> ()
    "tpu.region"() ({
      %run_scoped3A = tpu.sem_alloc : memref<!tpu.dma_semaphore, #tpu.memory_space<semaphore_mem>>
      %dma_start3A_107 = arith.constant 0 : i32
      %dma_start3A_108 = tpu.memref_slice %arg5[%arg0, %add3A_74, %dma_start3A_107] : memref<2x10112x128xf32, #tpu.memory_space<hbm>> -> memref<1x64x128xf32, #tpu.memory_space<hbm>>
      %dma_start3A_109 = tpu.memref_squeeze %dma_start3A_108 : memref<1x64x128xf32, #tpu.memory_space<hbm>> -> memref<64x128xf32, #tpu.memory_space<hbm>>
      %dma_start3A_110 = arith.constant 0 : i32
      %dma_start3A_111 = tpu.memref_slice %arg5[%arg0, %add3A_74, %dma_start3A_110] : memref<2x10112x128xf32, #tpu.memory_space<hbm>> -> memref<1x64x128xf32, #tpu.memory_space<hbm>>
      %dma_start3A_112 = tpu.memref_squeeze %dma_start3A_111 : memref<1x64x128xf32, #tpu.memory_space<hbm>> -> memref<64x128xf32, #tpu.memory_space<hbm>>
      tpu.enqueue_dma source(%arg9 : memref<64x128xf32, #tpu.memory_space<vmem>>) target(%dma_start3A_112 : memref<64x128xf32, #tpu.memory_space<hbm>>) target_semaphore(%run_scoped3A : memref<!tpu.dma_semaphore, #tpu.memory_space<semaphore_mem>>)
      %dma_wait3A = arith.constant 0 : i32
      %dma_wait3A_113 = tpu.memref_slice %arg5[%arg0, %add3A_74, %dma_wait3A] : memref<2x10112x128xf32, #tpu.memory_space<hbm>> -> memref<1x64x128xf32, #tpu.memory_space<hbm>>
      %dma_wait3A_114 = tpu.memref_squeeze %dma_wait3A_113 : memref<1x64x128xf32, #tpu.memory_space<hbm>> -> memref<64x128xf32, #tpu.memory_space<hbm>>
      %dma_wait3A_115 = arith.constant 0 : i32
      %dma_wait3A_116 = tpu.memref_slice %arg5[%arg0, %add3A_74, %dma_wait3A_115] : memref<2x10112x128xf32, #tpu.memory_space<hbm>> -> memref<1x64x128xf32, #tpu.memory_space<hbm>>
      %dma_wait3A_117 = tpu.memref_squeeze %dma_wait3A_116 : memref<1x64x128xf32, #tpu.memory_space<hbm>> -> memref<64x128xf32, #tpu.memory_space<hbm>>
      tpu.wait_dma2 semaphore(%run_scoped3A : memref<!tpu.dma_semaphore, #tpu.memory_space<semaphore_mem>>) src(%arg9 : memref<64x128xf32, #tpu.memory_space<vmem>>) dst(%dma_wait3A_117 : memref<64x128xf32, #tpu.memory_space<hbm>>)
      tpu.yield
    }) : () -> ()
    %mul3A_75 = arith.constant 632 : i32
    %mul3A_76 = arith.muli %arg1, %mul3A_75 : i32
    %add3A_77 = arith.constant 128 : i32
    %add3A_78 = arith.addi %mul3A_76, %add3A_77 : i32
    "tpu.region"() ({
      %run_scoped3A = tpu.sem_alloc : memref<!tpu.dma_semaphore, #tpu.memory_space<semaphore_mem>>
      %dma_start3A_107 = arith.constant 0 : i32
      %dma_start3A_108 = tpu.memref_slice %arg10[%add3A_78, %dma_start3A_107] : memref<10112x128xf32, #tpu.memory_space<vmem_shared>> -> memref<64x128xf32, #tpu.memory_space<vmem_shared>>
      %dma_start3A_109 = arith.constant 0 : i32
      %dma_start3A_110 = tpu.memref_slice %arg10[%add3A_78, %dma_start3A_109] : memref<10112x128xf32, #tpu.memory_space<vmem_shared>> -> memref<64x128xf32, #tpu.memory_space<vmem_shared>>
      tpu.enqueue_dma source(%dma_start3A_110 : memref<64x128xf32, #tpu.memory_space<vmem_shared>>) target(%arg9 : memref<64x128xf32, #tpu.memory_space<vmem>>) target_semaphore(%run_scoped3A : memref<!tpu.dma_semaphore, #tpu.memory_space<semaphore_mem>>)
      %dma_wait3A = arith.constant 0 : i32
      %dma_wait3A_111 = tpu.memref_slice %arg10[%add3A_78, %dma_wait3A] : memref<10112x128xf32, #tpu.memory_space<vmem_shared>> -> memref<64x128xf32, #tpu.memory_space<vmem_shared>>
      %dma_wait3A_112 = arith.constant 0 : i32
      %dma_wait3A_113 = tpu.memref_slice %arg10[%add3A_78, %dma_wait3A_112] : memref<10112x128xf32, #tpu.memory_space<vmem_shared>> -> memref<64x128xf32, #tpu.memory_space<vmem_shared>>
      tpu.wait_dma2 semaphore(%run_scoped3A : memref<!tpu.dma_semaphore, #tpu.memory_space<semaphore_mem>>) src(%dma_wait3A_113 : memref<64x128xf32, #tpu.memory_space<vmem_shared>>) dst(%arg9 : memref<64x128xf32, #tpu.memory_space<vmem>>)
      tpu.yield
    }) : () -> ()
    "tpu.region"() ({
      %run_scoped3A = tpu.sem_alloc : memref<!tpu.dma_semaphore, #tpu.memory_space<semaphore_mem>>
      %dma_start3A_107 = arith.constant 0 : i32
      %dma_start3A_108 = tpu.memref_slice %arg5[%arg0, %add3A_78, %dma_start3A_107] : memref<2x10112x128xf32, #tpu.memory_space<hbm>> -> memref<1x64x128xf32, #tpu.memory_space<hbm>>
      %dma_start3A_109 = tpu.memref_squeeze %dma_start3A_108 : memref<1x64x128xf32, #tpu.memory_space<hbm>> -> memref<64x128xf32, #tpu.memory_space<hbm>>
      %dma_start3A_110 = arith.constant 0 : i32
      %dma_start3A_111 = tpu.memref_slice %arg5[%arg0, %add3A_78, %dma_start3A_110] : memref<2x10112x128xf32, #tpu.memory_space<hbm>> -> memref<1x64x128xf32, #tpu.memory_space<hbm>>
      %dma_start3A_112 = tpu.memref_squeeze %dma_start3A_111 : memref<1x64x128xf32, #tpu.memory_space<hbm>> -> memref<64x128xf32, #tpu.memory_space<hbm>>
      tpu.enqueue_dma source(%arg9 : memref<64x128xf32, #tpu.memory_space<vmem>>) target(%dma_start3A_112 : memref<64x128xf32, #tpu.memory_space<hbm>>) target_semaphore(%run_scoped3A : memref<!tpu.dma_semaphore, #tpu.memory_space<semaphore_mem>>)
      %dma_wait3A = arith.constant 0 : i32
      %dma_wait3A_113 = tpu.memref_slice %arg5[%arg0, %add3A_78, %dma_wait3A] : memref<2x10112x128xf32, #tpu.memory_space<hbm>> -> memref<1x64x128xf32, #tpu.memory_space<hbm>>
      %dma_wait3A_114 = tpu.memref_squeeze %dma_wait3A_113 : memref<1x64x128xf32, #tpu.memory_space<hbm>> -> memref<64x128xf32, #tpu.memory_space<hbm>>
      %dma_wait3A_115 = arith.constant 0 : i32
      %dma_wait3A_116 = tpu.memref_slice %arg5[%arg0, %add3A_78, %dma_wait3A_115] : memref<2x10112x128xf32, #tpu.memory_space<hbm>> -> memref<1x64x128xf32, #tpu.memory_space<hbm>>
      %dma_wait3A_117 = tpu.memref_squeeze %dma_wait3A_116 : memref<1x64x128xf32, #tpu.memory_space<hbm>> -> memref<64x128xf32, #tpu.memory_space<hbm>>
      tpu.wait_dma2 semaphore(%run_scoped3A : memref<!tpu.dma_semaphore, #tpu.memory_space<semaphore_mem>>) src(%arg9 : memref<64x128xf32, #tpu.memory_space<vmem>>) dst(%dma_wait3A_117 : memref<64x128xf32, #tpu.memory_space<hbm>>)
      tpu.yield
    }) : () -> ()
    %mul3A_79 = arith.constant 632 : i32
    %mul3A_80 = arith.muli %arg1, %mul3A_79 : i32
    %add3A_81 = arith.constant 192 : i32
    %add3A_82 = arith.addi %mul3A_80, %add3A_81 : i32
    "tpu.region"() ({
      %run_scoped3A = tpu.sem_alloc : memref<!tpu.dma_semaphore, #tpu.memory_space<semaphore_mem>>
      %dma_start3A_107 = arith.constant 0 : i32
      %dma_start3A_108 = tpu.memref_slice %arg10[%add3A_82, %dma_start3A_107] : memref<10112x128xf32, #tpu.memory_space<vmem_shared>> -> memref<64x128xf32, #tpu.memory_space<vmem_shared>>
      %dma_start3A_109 = arith.constant 0 : i32
      %dma_start3A_110 = tpu.memref_slice %arg10[%add3A_82, %dma_start3A_109] : memref<10112x128xf32, #tpu.memory_space<vmem_shared>> -> memref<64x128xf32, #tpu.memory_space<vmem_shared>>
      tpu.enqueue_dma source(%dma_start3A_110 : memref<64x128xf32, #tpu.memory_space<vmem_shared>>) target(%arg9 : memref<64x128xf32, #tpu.memory_space<vmem>>) target_semaphore(%run_scoped3A : memref<!tpu.dma_semaphore, #tpu.memory_space<semaphore_mem>>)
      %dma_wait3A = arith.constant 0 : i32
      %dma_wait3A_111 = tpu.memref_slice %arg10[%add3A_82, %dma_wait3A] : memref<10112x128xf32, #tpu.memory_space<vmem_shared>> -> memref<64x128xf32, #tpu.memory_space<vmem_shared>>
      %dma_wait3A_112 = arith.constant 0 : i32
      %dma_wait3A_113 = tpu.memref_slice %arg10[%add3A_82, %dma_wait3A_112] : memref<10112x128xf32, #tpu.memory_space<vmem_shared>> -> memref<64x128xf32, #tpu.memory_space<vmem_shared>>
      tpu.wait_dma2 semaphore(%run_scoped3A : memref<!tpu.dma_semaphore, #tpu.memory_space<semaphore_mem>>) src(%dma_wait3A_113 : memref<64x128xf32, #tpu.memory_space<vmem_shared>>) dst(%arg9 : memref<64x128xf32, #tpu.memory_space<vmem>>)
      tpu.yield
    }) : () -> ()
    "tpu.region"() ({
      %run_scoped3A = tpu.sem_alloc : memref<!tpu.dma_semaphore, #tpu.memory_space<semaphore_mem>>
      %dma_start3A_107 = arith.constant 0 : i32
      %dma_start3A_108 = tpu.memref_slice %arg5[%arg0, %add3A_82, %dma_start3A_107] : memref<2x10112x128xf32, #tpu.memory_space<hbm>> -> memref<1x64x128xf32, #tpu.memory_space<hbm>>
      %dma_start3A_109 = tpu.memref_squeeze %dma_start3A_108 : memref<1x64x128xf32, #tpu.memory_space<hbm>> -> memref<64x128xf32, #tpu.memory_space<hbm>>
      %dma_start3A_110 = arith.constant 0 : i32
      %dma_start3A_111 = tpu.memref_slice %arg5[%arg0, %add3A_82, %dma_start3A_110] : memref<2x10112x128xf32, #tpu.memory_space<hbm>> -> memref<1x64x128xf32, #tpu.memory_space<hbm>>
      %dma_start3A_112 = tpu.memref_squeeze %dma_start3A_111 : memref<1x64x128xf32, #tpu.memory_space<hbm>> -> memref<64x128xf32, #tpu.memory_space<hbm>>
      tpu.enqueue_dma source(%arg9 : memref<64x128xf32, #tpu.memory_space<vmem>>) target(%dma_start3A_112 : memref<64x128xf32, #tpu.memory_space<hbm>>) target_semaphore(%run_scoped3A : memref<!tpu.dma_semaphore, #tpu.memory_space<semaphore_mem>>)
      %dma_wait3A = arith.constant 0 : i32
      %dma_wait3A_113 = tpu.memref_slice %arg5[%arg0, %add3A_82, %dma_wait3A] : memref<2x10112x128xf32, #tpu.memory_space<hbm>> -> memref<1x64x128xf32, #tpu.memory_space<hbm>>
      %dma_wait3A_114 = tpu.memref_squeeze %dma_wait3A_113 : memref<1x64x128xf32, #tpu.memory_space<hbm>> -> memref<64x128xf32, #tpu.memory_space<hbm>>
      %dma_wait3A_115 = arith.constant 0 : i32
      %dma_wait3A_116 = tpu.memref_slice %arg5[%arg0, %add3A_82, %dma_wait3A_115] : memref<2x10112x128xf32, #tpu.memory_space<hbm>> -> memref<1x64x128xf32, #tpu.memory_space<hbm>>
      %dma_wait3A_117 = tpu.memref_squeeze %dma_wait3A_116 : memref<1x64x128xf32, #tpu.memory_space<hbm>> -> memref<64x128xf32, #tpu.memory_space<hbm>>
      tpu.wait_dma2 semaphore(%run_scoped3A : memref<!tpu.dma_semaphore, #tpu.memory_space<semaphore_mem>>) src(%arg9 : memref<64x128xf32, #tpu.memory_space<vmem>>) dst(%dma_wait3A_117 : memref<64x128xf32, #tpu.memory_space<hbm>>)
      tpu.yield
    }) : () -> ()
    %mul3A_83 = arith.constant 632 : i32
    %mul3A_84 = arith.muli %arg1, %mul3A_83 : i32
    %add3A_85 = arith.constant 256 : i32
    %add3A_86 = arith.addi %mul3A_84, %add3A_85 : i32
    "tpu.region"() ({
      %run_scoped3A = tpu.sem_alloc : memref<!tpu.dma_semaphore, #tpu.memory_space<semaphore_mem>>
      %dma_start3A_107 = arith.constant 0 : i32
      %dma_start3A_108 = tpu.memref_slice %arg10[%add3A_86, %dma_start3A_107] : memref<10112x128xf32, #tpu.memory_space<vmem_shared>> -> memref<64x128xf32, #tpu.memory_space<vmem_shared>>
      %dma_start3A_109 = arith.constant 0 : i32
      %dma_start3A_110 = tpu.memref_slice %arg10[%add3A_86, %dma_start3A_109] : memref<10112x128xf32, #tpu.memory_space<vmem_shared>> -> memref<64x128xf32, #tpu.memory_space<vmem_shared>>
      tpu.enqueue_dma source(%dma_start3A_110 : memref<64x128xf32, #tpu.memory_space<vmem_shared>>) target(%arg9 : memref<64x128xf32, #tpu.memory_space<vmem>>) target_semaphore(%run_scoped3A : memref<!tpu.dma_semaphore, #tpu.memory_space<semaphore_mem>>)
      %dma_wait3A = arith.constant 0 : i32
      %dma_wait3A_111 = tpu.memref_slice %arg10[%add3A_86, %dma_wait3A] : memref<10112x128xf32, #tpu.memory_space<vmem_shared>> -> memref<64x128xf32, #tpu.memory_space<vmem_shared>>
      %dma_wait3A_112 = arith.constant 0 : i32
      %dma_wait3A_113 = tpu.memref_slice %arg10[%add3A_86, %dma_wait3A_112] : memref<10112x128xf32, #tpu.memory_space<vmem_shared>> -> memref<64x128xf32, #tpu.memory_space<vmem_shared>>
      tpu.wait_dma2 semaphore(%run_scoped3A : memref<!tpu.dma_semaphore, #tpu.memory_space<semaphore_mem>>) src(%dma_wait3A_113 : memref<64x128xf32, #tpu.memory_space<vmem_shared>>) dst(%arg9 : memref<64x128xf32, #tpu.memory_space<vmem>>)
      tpu.yield
    }) : () -> ()
    "tpu.region"() ({
      %run_scoped3A = tpu.sem_alloc : memref<!tpu.dma_semaphore, #tpu.memory_space<semaphore_mem>>
      %dma_start3A_107 = arith.constant 0 : i32
      %dma_start3A_108 = tpu.memref_slice %arg5[%arg0, %add3A_86, %dma_start3A_107] : memref<2x10112x128xf32, #tpu.memory_space<hbm>> -> memref<1x64x128xf32, #tpu.memory_space<hbm>>
      %dma_start3A_109 = tpu.memref_squeeze %dma_start3A_108 : memref<1x64x128xf32, #tpu.memory_space<hbm>> -> memref<64x128xf32, #tpu.memory_space<hbm>>
      %dma_start3A_110 = arith.constant 0 : i32
      %dma_start3A_111 = tpu.memref_slice %arg5[%arg0, %add3A_86, %dma_start3A_110] : memref<2x10112x128xf32, #tpu.memory_space<hbm>> -> memref<1x64x128xf32, #tpu.memory_space<hbm>>
      %dma_start3A_112 = tpu.memref_squeeze %dma_start3A_111 : memref<1x64x128xf32, #tpu.memory_space<hbm>> -> memref<64x128xf32, #tpu.memory_space<hbm>>
      tpu.enqueue_dma source(%arg9 : memref<64x128xf32, #tpu.memory_space<vmem>>) target(%dma_start3A_112 : memref<64x128xf32, #tpu.memory_space<hbm>>) target_semaphore(%run_scoped3A : memref<!tpu.dma_semaphore, #tpu.memory_space<semaphore_mem>>)
      %dma_wait3A = arith.constant 0 : i32
      %dma_wait3A_113 = tpu.memref_slice %arg5[%arg0, %add3A_86, %dma_wait3A] : memref<2x10112x128xf32, #tpu.memory_space<hbm>> -> memref<1x64x128xf32, #tpu.memory_space<hbm>>
      %dma_wait3A_114 = tpu.memref_squeeze %dma_wait3A_113 : memref<1x64x128xf32, #tpu.memory_space<hbm>> -> memref<64x128xf32, #tpu.memory_space<hbm>>
      %dma_wait3A_115 = arith.constant 0 : i32
      %dma_wait3A_116 = tpu.memref_slice %arg5[%arg0, %add3A_86, %dma_wait3A_115] : memref<2x10112x128xf32, #tpu.memory_space<hbm>> -> memref<1x64x128xf32, #tpu.memory_space<hbm>>
      %dma_wait3A_117 = tpu.memref_squeeze %dma_wait3A_116 : memref<1x64x128xf32, #tpu.memory_space<hbm>> -> memref<64x128xf32, #tpu.memory_space<hbm>>
      tpu.wait_dma2 semaphore(%run_scoped3A : memref<!tpu.dma_semaphore, #tpu.memory_space<semaphore_mem>>) src(%arg9 : memref<64x128xf32, #tpu.memory_space<vmem>>) dst(%dma_wait3A_117 : memref<64x128xf32, #tpu.memory_space<hbm>>)
      tpu.yield
    }) : () -> ()
    %mul3A_87 = arith.constant 632 : i32
    %mul3A_88 = arith.muli %arg1, %mul3A_87 : i32
    %add3A_89 = arith.constant 320 : i32
    %add3A_90 = arith.addi %mul3A_88, %add3A_89 : i32
    "tpu.region"() ({
      %run_scoped3A = tpu.sem_alloc : memref<!tpu.dma_semaphore, #tpu.memory_space<semaphore_mem>>
      %dma_start3A_107 = arith.constant 0 : i32
      %dma_start3A_108 = tpu.memref_slice %arg10[%add3A_90, %dma_start3A_107] : memref<10112x128xf32, #tpu.memory_space<vmem_shared>> -> memref<64x128xf32, #tpu.memory_space<vmem_shared>>
      %dma_start3A_109 = arith.constant 0 : i32
      %dma_start3A_110 = tpu.memref_slice %arg10[%add3A_90, %dma_start3A_109] : memref<10112x128xf32, #tpu.memory_space<vmem_shared>> -> memref<64x128xf32, #tpu.memory_space<vmem_shared>>
      tpu.enqueue_dma source(%dma_start3A_110 : memref<64x128xf32, #tpu.memory_space<vmem_shared>>) target(%arg9 : memref<64x128xf32, #tpu.memory_space<vmem>>) target_semaphore(%run_scoped3A : memref<!tpu.dma_semaphore, #tpu.memory_space<semaphore_mem>>)
      %dma_wait3A = arith.constant 0 : i32
      %dma_wait3A_111 = tpu.memref_slice %arg10[%add3A_90, %dma_wait3A] : memref<10112x128xf32, #tpu.memory_space<vmem_shared>> -> memref<64x128xf32, #tpu.memory_space<vmem_shared>>
      %dma_wait3A_112 = arith.constant 0 : i32
      %dma_wait3A_113 = tpu.memref_slice %arg10[%add3A_90, %dma_wait3A_112] : memref<10112x128xf32, #tpu.memory_space<vmem_shared>> -> memref<64x128xf32, #tpu.memory_space<vmem_shared>>
      tpu.wait_dma2 semaphore(%run_scoped3A : memref<!tpu.dma_semaphore, #tpu.memory_space<semaphore_mem>>) src(%dma_wait3A_113 : memref<64x128xf32, #tpu.memory_space<vmem_shared>>) dst(%arg9 : memref<64x128xf32, #tpu.memory_space<vmem>>)
      tpu.yield
    }) : () -> ()
    "tpu.region"() ({
      %run_scoped3A = tpu.sem_alloc : memref<!tpu.dma_semaphore, #tpu.memory_space<semaphore_mem>>
      %dma_start3A_107 = arith.constant 0 : i32
      %dma_start3A_108 = tpu.memref_slice %arg5[%arg0, %add3A_90, %dma_start3A_107] : memref<2x10112x128xf32, #tpu.memory_space<hbm>> -> memref<1x64x128xf32, #tpu.memory_space<hbm>>
      %dma_start3A_109 = tpu.memref_squeeze %dma_start3A_108 : memref<1x64x128xf32, #tpu.memory_space<hbm>> -> memref<64x128xf32, #tpu.memory_space<hbm>>
      %dma_start3A_110 = arith.constant 0 : i32
      %dma_start3A_111 = tpu.memref_slice %arg5[%arg0, %add3A_90, %dma_start3A_110] : memref<2x10112x128xf32, #tpu.memory_space<hbm>> -> memref<1x64x128xf32, #tpu.memory_space<hbm>>
      %dma_start3A_112 = tpu.memref_squeeze %dma_start3A_111 : memref<1x64x128xf32, #tpu.memory_space<hbm>> -> memref<64x128xf32, #tpu.memory_space<hbm>>
      tpu.enqueue_dma source(%arg9 : memref<64x128xf32, #tpu.memory_space<vmem>>) target(%dma_start3A_112 : memref<64x128xf32, #tpu.memory_space<hbm>>) target_semaphore(%run_scoped3A : memref<!tpu.dma_semaphore, #tpu.memory_space<semaphore_mem>>)
      %dma_wait3A = arith.constant 0 : i32
      %dma_wait3A_113 = tpu.memref_slice %arg5[%arg0, %add3A_90, %dma_wait3A] : memref<2x10112x128xf32, #tpu.memory_space<hbm>> -> memref<1x64x128xf32, #tpu.memory_space<hbm>>
      %dma_wait3A_114 = tpu.memref_squeeze %dma_wait3A_113 : memref<1x64x128xf32, #tpu.memory_space<hbm>> -> memref<64x128xf32, #tpu.memory_space<hbm>>
      %dma_wait3A_115 = arith.constant 0 : i32
      %dma_wait3A_116 = tpu.memref_slice %arg5[%arg0, %add3A_90, %dma_wait3A_115] : memref<2x10112x128xf32, #tpu.memory_space<hbm>> -> memref<1x64x128xf32, #tpu.memory_space<hbm>>
      %dma_wait3A_117 = tpu.memref_squeeze %dma_wait3A_116 : memref<1x64x128xf32, #tpu.memory_space<hbm>> -> memref<64x128xf32, #tpu.memory_space<hbm>>
      tpu.wait_dma2 semaphore(%run_scoped3A : memref<!tpu.dma_semaphore, #tpu.memory_space<semaphore_mem>>) src(%arg9 : memref<64x128xf32, #tpu.memory_space<vmem>>) dst(%dma_wait3A_117 : memref<64x128xf32, #tpu.memory_space<hbm>>)
      tpu.yield
    }) : () -> ()
    %mul3A_91 = arith.constant 632 : i32
    %mul3A_92 = arith.muli %arg1, %mul3A_91 : i32
    %add3A_93 = arith.constant 384 : i32
    %add3A_94 = arith.addi %mul3A_92, %add3A_93 : i32
    "tpu.region"() ({
      %run_scoped3A = tpu.sem_alloc : memref<!tpu.dma_semaphore, #tpu.memory_space<semaphore_mem>>
      %dma_start3A_107 = arith.constant 0 : i32
      %dma_start3A_108 = tpu.memref_slice %arg10[%add3A_94, %dma_start3A_107] : memref<10112x128xf32, #tpu.memory_space<vmem_shared>> -> memref<64x128xf32, #tpu.memory_space<vmem_shared>>
      %dma_start3A_109 = arith.constant 0 : i32
      %dma_start3A_110 = tpu.memref_slice %arg10[%add3A_94, %dma_start3A_109] : memref<10112x128xf32, #tpu.memory_space<vmem_shared>> -> memref<64x128xf32, #tpu.memory_space<vmem_shared>>
      tpu.enqueue_dma source(%dma_start3A_110 : memref<64x128xf32, #tpu.memory_space<vmem_shared>>) target(%arg9 : memref<64x128xf32, #tpu.memory_space<vmem>>) target_semaphore(%run_scoped3A : memref<!tpu.dma_semaphore, #tpu.memory_space<semaphore_mem>>)
      %dma_wait3A = arith.constant 0 : i32
      %dma_wait3A_111 = tpu.memref_slice %arg10[%add3A_94, %dma_wait3A] : memref<10112x128xf32, #tpu.memory_space<vmem_shared>> -> memref<64x128xf32, #tpu.memory_space<vmem_shared>>
      %dma_wait3A_112 = arith.constant 0 : i32
      %dma_wait3A_113 = tpu.memref_slice %arg10[%add3A_94, %dma_wait3A_112] : memref<10112x128xf32, #tpu.memory_space<vmem_shared>> -> memref<64x128xf32, #tpu.memory_space<vmem_shared>>
      tpu.wait_dma2 semaphore(%run_scoped3A : memref<!tpu.dma_semaphore, #tpu.memory_space<semaphore_mem>>) src(%dma_wait3A_113 : memref<64x128xf32, #tpu.memory_space<vmem_shared>>) dst(%arg9 : memref<64x128xf32, #tpu.memory_space<vmem>>)
      tpu.yield
    }) : () -> ()
    "tpu.region"() ({
      %run_scoped3A = tpu.sem_alloc : memref<!tpu.dma_semaphore, #tpu.memory_space<semaphore_mem>>
      %dma_start3A_107 = arith.constant 0 : i32
      %dma_start3A_108 = tpu.memref_slice %arg5[%arg0, %add3A_94, %dma_start3A_107] : memref<2x10112x128xf32, #tpu.memory_space<hbm>> -> memref<1x64x128xf32, #tpu.memory_space<hbm>>
      %dma_start3A_109 = tpu.memref_squeeze %dma_start3A_108 : memref<1x64x128xf32, #tpu.memory_space<hbm>> -> memref<64x128xf32, #tpu.memory_space<hbm>>
      %dma_start3A_110 = arith.constant 0 : i32
      %dma_start3A_111 = tpu.memref_slice %arg5[%arg0, %add3A_94, %dma_start3A_110] : memref<2x10112x128xf32, #tpu.memory_space<hbm>> -> memref<1x64x128xf32, #tpu.memory_space<hbm>>
      %dma_start3A_112 = tpu.memref_squeeze %dma_start3A_111 : memref<1x64x128xf32, #tpu.memory_space<hbm>> -> memref<64x128xf32, #tpu.memory_space<hbm>>
      tpu.enqueue_dma source(%arg9 : memref<64x128xf32, #tpu.memory_space<vmem>>) target(%dma_start3A_112 : memref<64x128xf32, #tpu.memory_space<hbm>>) target_semaphore(%run_scoped3A : memref<!tpu.dma_semaphore, #tpu.memory_space<semaphore_mem>>)
      %dma_wait3A = arith.constant 0 : i32
      %dma_wait3A_113 = tpu.memref_slice %arg5[%arg0, %add3A_94, %dma_wait3A] : memref<2x10112x128xf32, #tpu.memory_space<hbm>> -> memref<1x64x128xf32, #tpu.memory_space<hbm>>
      %dma_wait3A_114 = tpu.memref_squeeze %dma_wait3A_113 : memref<1x64x128xf32, #tpu.memory_space<hbm>> -> memref<64x128xf32, #tpu.memory_space<hbm>>
      %dma_wait3A_115 = arith.constant 0 : i32
      %dma_wait3A_116 = tpu.memref_slice %arg5[%arg0, %add3A_94, %dma_wait3A_115] : memref<2x10112x128xf32, #tpu.memory_space<hbm>> -> memref<1x64x128xf32, #tpu.memory_space<hbm>>
      %dma_wait3A_117 = tpu.memref_squeeze %dma_wait3A_116 : memref<1x64x128xf32, #tpu.memory_space<hbm>> -> memref<64x128xf32, #tpu.memory_space<hbm>>
      tpu.wait_dma2 semaphore(%run_scoped3A : memref<!tpu.dma_semaphore, #tpu.memory_space<semaphore_mem>>) src(%arg9 : memref<64x128xf32, #tpu.memory_space<vmem>>) dst(%dma_wait3A_117 : memref<64x128xf32, #tpu.memory_space<hbm>>)
      tpu.yield
    }) : () -> ()
    %mul3A_95 = arith.constant 632 : i32
    %mul3A_96 = arith.muli %arg1, %mul3A_95 : i32
    %add3A_97 = arith.constant 448 : i32
    %add3A_98 = arith.addi %mul3A_96, %add3A_97 : i32
    "tpu.region"() ({
      %run_scoped3A = tpu.sem_alloc : memref<!tpu.dma_semaphore, #tpu.memory_space<semaphore_mem>>
      %dma_start3A_107 = arith.constant 0 : i32
      %dma_start3A_108 = tpu.memref_slice %arg10[%add3A_98, %dma_start3A_107] : memref<10112x128xf32, #tpu.memory_space<vmem_shared>> -> memref<64x128xf32, #tpu.memory_space<vmem_shared>>
      %dma_start3A_109 = arith.constant 0 : i32
      %dma_start3A_110 = tpu.memref_slice %arg10[%add3A_98, %dma_start3A_109] : memref<10112x128xf32, #tpu.memory_space<vmem_shared>> -> memref<64x128xf32, #tpu.memory_space<vmem_shared>>
      tpu.enqueue_dma source(%dma_start3A_110 : memref<64x128xf32, #tpu.memory_space<vmem_shared>>) target(%arg9 : memref<64x128xf32, #tpu.memory_space<vmem>>) target_semaphore(%run_scoped3A : memref<!tpu.dma_semaphore, #tpu.memory_space<semaphore_mem>>)
      %dma_wait3A = arith.constant 0 : i32
      %dma_wait3A_111 = tpu.memref_slice %arg10[%add3A_98, %dma_wait3A] : memref<10112x128xf32, #tpu.memory_space<vmem_shared>> -> memref<64x128xf32, #tpu.memory_space<vmem_shared>>
      %dma_wait3A_112 = arith.constant 0 : i32
      %dma_wait3A_113 = tpu.memref_slice %arg10[%add3A_98, %dma_wait3A_112] : memref<10112x128xf32, #tpu.memory_space<vmem_shared>> -> memref<64x128xf32, #tpu.memory_space<vmem_shared>>
      tpu.wait_dma2 semaphore(%run_scoped3A : memref<!tpu.dma_semaphore, #tpu.memory_space<semaphore_mem>>) src(%dma_wait3A_113 : memref<64x128xf32, #tpu.memory_space<vmem_shared>>) dst(%arg9 : memref<64x128xf32, #tpu.memory_space<vmem>>)
      tpu.yield
    }) : () -> ()
    "tpu.region"() ({
      %run_scoped3A = tpu.sem_alloc : memref<!tpu.dma_semaphore, #tpu.memory_space<semaphore_mem>>
      %dma_start3A_107 = arith.constant 0 : i32
      %dma_start3A_108 = tpu.memref_slice %arg5[%arg0, %add3A_98, %dma_start3A_107] : memref<2x10112x128xf32, #tpu.memory_space<hbm>> -> memref<1x64x128xf32, #tpu.memory_space<hbm>>
      %dma_start3A_109 = tpu.memref_squeeze %dma_start3A_108 : memref<1x64x128xf32, #tpu.memory_space<hbm>> -> memref<64x128xf32, #tpu.memory_space<hbm>>
      %dma_start3A_110 = arith.constant 0 : i32
      %dma_start3A_111 = tpu.memref_slice %arg5[%arg0, %add3A_98, %dma_start3A_110] : memref<2x10112x128xf32, #tpu.memory_space<hbm>> -> memref<1x64x128xf32, #tpu.memory_space<hbm>>
      %dma_start3A_112 = tpu.memref_squeeze %dma_start3A_111 : memref<1x64x128xf32, #tpu.memory_space<hbm>> -> memref<64x128xf32, #tpu.memory_space<hbm>>
      tpu.enqueue_dma source(%arg9 : memref<64x128xf32, #tpu.memory_space<vmem>>) target(%dma_start3A_112 : memref<64x128xf32, #tpu.memory_space<hbm>>) target_semaphore(%run_scoped3A : memref<!tpu.dma_semaphore, #tpu.memory_space<semaphore_mem>>)
      %dma_wait3A = arith.constant 0 : i32
      %dma_wait3A_113 = tpu.memref_slice %arg5[%arg0, %add3A_98, %dma_wait3A] : memref<2x10112x128xf32, #tpu.memory_space<hbm>> -> memref<1x64x128xf32, #tpu.memory_space<hbm>>
      %dma_wait3A_114 = tpu.memref_squeeze %dma_wait3A_113 : memref<1x64x128xf32, #tpu.memory_space<hbm>> -> memref<64x128xf32, #tpu.memory_space<hbm>>
      %dma_wait3A_115 = arith.constant 0 : i32
      %dma_wait3A_116 = tpu.memref_slice %arg5[%arg0, %add3A_98, %dma_wait3A_115] : memref<2x10112x128xf32, #tpu.memory_space<hbm>> -> memref<1x64x128xf32, #tpu.memory_space<hbm>>
      %dma_wait3A_117 = tpu.memref_squeeze %dma_wait3A_116 : memref<1x64x128xf32, #tpu.memory_space<hbm>> -> memref<64x128xf32, #tpu.memory_space<hbm>>
      tpu.wait_dma2 semaphore(%run_scoped3A : memref<!tpu.dma_semaphore, #tpu.memory_space<semaphore_mem>>) src(%arg9 : memref<64x128xf32, #tpu.memory_space<vmem>>) dst(%dma_wait3A_117 : memref<64x128xf32, #tpu.memory_space<hbm>>)
      tpu.yield
    }) : () -> ()
    %mul3A_99 = arith.constant 632 : i32
    %mul3A_100 = arith.muli %arg1, %mul3A_99 : i32
    %add3A_101 = arith.constant 512 : i32
    %add3A_102 = arith.addi %mul3A_100, %add3A_101 : i32
    "tpu.region"() ({
      %run_scoped3A = tpu.sem_alloc : memref<!tpu.dma_semaphore, #tpu.memory_space<semaphore_mem>>
      %dma_start3A_107 = arith.constant 0 : i32
      %dma_start3A_108 = tpu.memref_slice %arg10[%add3A_102, %dma_start3A_107] : memref<10112x128xf32, #tpu.memory_space<vmem_shared>> -> memref<64x128xf32, #tpu.memory_space<vmem_shared>>
      %dma_start3A_109 = arith.constant 0 : i32
      %dma_start3A_110 = tpu.memref_slice %arg10[%add3A_102, %dma_start3A_109] : memref<10112x128xf32, #tpu.memory_space<vmem_shared>> -> memref<64x128xf32, #tpu.memory_space<vmem_shared>>
      tpu.enqueue_dma source(%dma_start3A_110 : memref<64x128xf32, #tpu.memory_space<vmem_shared>>) target(%arg9 : memref<64x128xf32, #tpu.memory_space<vmem>>) target_semaphore(%run_scoped3A : memref<!tpu.dma_semaphore, #tpu.memory_space<semaphore_mem>>)
      %dma_wait3A = arith.constant 0 : i32
      %dma_wait3A_111 = tpu.memref_slice %arg10[%add3A_102, %dma_wait3A] : memref<10112x128xf32, #tpu.memory_space<vmem_shared>> -> memref<64x128xf32, #tpu.memory_space<vmem_shared>>
      %dma_wait3A_112 = arith.constant 0 : i32
      %dma_wait3A_113 = tpu.memref_slice %arg10[%add3A_102, %dma_wait3A_112] : memref<10112x128xf32, #tpu.memory_space<vmem_shared>> -> memref<64x128xf32, #tpu.memory_space<vmem_shared>>
      tpu.wait_dma2 semaphore(%run_scoped3A : memref<!tpu.dma_semaphore, #tpu.memory_space<semaphore_mem>>) src(%dma_wait3A_113 : memref<64x128xf32, #tpu.memory_space<vmem_shared>>) dst(%arg9 : memref<64x128xf32, #tpu.memory_space<vmem>>)
      tpu.yield
    }) : () -> ()
    "tpu.region"() ({
      %run_scoped3A = tpu.sem_alloc : memref<!tpu.dma_semaphore, #tpu.memory_space<semaphore_mem>>
      %dma_start3A_107 = arith.constant 0 : i32
      %dma_start3A_108 = tpu.memref_slice %arg5[%arg0, %add3A_102, %dma_start3A_107] : memref<2x10112x128xf32, #tpu.memory_space<hbm>> -> memref<1x64x128xf32, #tpu.memory_space<hbm>>
      %dma_start3A_109 = tpu.memref_squeeze %dma_start3A_108 : memref<1x64x128xf32, #tpu.memory_space<hbm>> -> memref<64x128xf32, #tpu.memory_space<hbm>>
      %dma_start3A_110 = arith.constant 0 : i32
      %dma_start3A_111 = tpu.memref_slice %arg5[%arg0, %add3A_102, %dma_start3A_110] : memref<2x10112x128xf32, #tpu.memory_space<hbm>> -> memref<1x64x128xf32, #tpu.memory_space<hbm>>
      %dma_start3A_112 = tpu.memref_squeeze %dma_start3A_111 : memref<1x64x128xf32, #tpu.memory_space<hbm>> -> memref<64x128xf32, #tpu.memory_space<hbm>>
      tpu.enqueue_dma source(%arg9 : memref<64x128xf32, #tpu.memory_space<vmem>>) target(%dma_start3A_112 : memref<64x128xf32, #tpu.memory_space<hbm>>) target_semaphore(%run_scoped3A : memref<!tpu.dma_semaphore, #tpu.memory_space<semaphore_mem>>)
      %dma_wait3A = arith.constant 0 : i32
      %dma_wait3A_113 = tpu.memref_slice %arg5[%arg0, %add3A_102, %dma_wait3A] : memref<2x10112x128xf32, #tpu.memory_space<hbm>> -> memref<1x64x128xf32, #tpu.memory_space<hbm>>
      %dma_wait3A_114 = tpu.memref_squeeze %dma_wait3A_113 : memref<1x64x128xf32, #tpu.memory_space<hbm>> -> memref<64x128xf32, #tpu.memory_space<hbm>>
      %dma_wait3A_115 = arith.constant 0 : i32
      %dma_wait3A_116 = tpu.memref_slice %arg5[%arg0, %add3A_102, %dma_wait3A_115] : memref<2x10112x128xf32, #tpu.memory_space<hbm>> -> memref<1x64x128xf32, #tpu.memory_space<hbm>>
      %dma_wait3A_117 = tpu.memref_squeeze %dma_wait3A_116 : memref<1x64x128xf32, #tpu.memory_space<hbm>> -> memref<64x128xf32, #tpu.memory_space<hbm>>
      tpu.wait_dma2 semaphore(%run_scoped3A : memref<!tpu.dma_semaphore, #tpu.memory_space<semaphore_mem>>) src(%arg9 : memref<64x128xf32, #tpu.memory_space<vmem>>) dst(%dma_wait3A_117 : memref<64x128xf32, #tpu.memory_space<hbm>>)
      tpu.yield
    }) : () -> ()
    %mul3A_103 = arith.constant 632 : i32
    %mul3A_104 = arith.muli %arg1, %mul3A_103 : i32
    %add3A_105 = arith.constant 576 : i32
    %add3A_106 = arith.addi %mul3A_104, %add3A_105 : i32
    "tpu.region"() ({
      %run_scoped3A = tpu.sem_alloc : memref<!tpu.dma_semaphore, #tpu.memory_space<semaphore_mem>>
      %dma_start3A_107 = arith.constant 0 : i32
      %dma_start3A_108 = arith.constant 0 : i32
      %dma_start3A_109 = tpu.memref_slice %arg9[%dma_start3A_107, %dma_start3A_108] : memref<64x128xf32, #tpu.memory_space<vmem>> -> memref<56x128xf32, #tpu.memory_space<vmem>>
      %dma_start3A_110 = arith.constant 0 : i32
      %dma_start3A_111 = tpu.memref_slice %arg10[%add3A_106, %dma_start3A_110] : memref<10112x128xf32, #tpu.memory_space<vmem_shared>> -> memref<56x128xf32, #tpu.memory_space<vmem_shared>>
      %dma_start3A_112 = arith.constant 0 : i32
      %dma_start3A_113 = arith.constant 0 : i32
      %dma_start3A_114 = tpu.memref_slice %arg9[%dma_start3A_112, %dma_start3A_113] : memref<64x128xf32, #tpu.memory_space<vmem>> -> memref<56x128xf32, #tpu.memory_space<vmem>>
      %dma_start3A_115 = arith.constant 0 : i32
      %dma_start3A_116 = tpu.memref_slice %arg10[%add3A_106, %dma_start3A_115] : memref<10112x128xf32, #tpu.memory_space<vmem_shared>> -> memref<56x128xf32, #tpu.memory_space<vmem_shared>>
      tpu.enqueue_dma source(%dma_start3A_116 : memref<56x128xf32, #tpu.memory_space<vmem_shared>>) target(%dma_start3A_114 : memref<56x128xf32, #tpu.memory_space<vmem>>) target_semaphore(%run_scoped3A : memref<!tpu.dma_semaphore, #tpu.memory_space<semaphore_mem>>)
      %dma_wait3A = arith.constant 0 : i32
      %dma_wait3A_117 = arith.constant 0 : i32
      %dma_wait3A_118 = tpu.memref_slice %arg9[%dma_wait3A, %dma_wait3A_117] : memref<64x128xf32, #tpu.memory_space<vmem>> -> memref<56x128xf32, #tpu.memory_space<vmem>>
      %dma_wait3A_119 = arith.constant 0 : i32
      %dma_wait3A_120 = tpu.memref_slice %arg10[%add3A_106, %dma_wait3A_119] : memref<10112x128xf32, #tpu.memory_space<vmem_shared>> -> memref<56x128xf32, #tpu.memory_space<vmem_shared>>
      %dma_wait3A_121 = arith.constant 0 : i32
      %dma_wait3A_122 = arith.constant 0 : i32
      %dma_wait3A_123 = tpu.memref_slice %arg9[%dma_wait3A_121, %dma_wait3A_122] : memref<64x128xf32, #tpu.memory_space<vmem>> -> memref<56x128xf32, #tpu.memory_space<vmem>>
      %dma_wait3A_124 = arith.constant 0 : i32
      %dma_wait3A_125 = tpu.memref_slice %arg10[%add3A_106, %dma_wait3A_124] : memref<10112x128xf32, #tpu.memory_space<vmem_shared>> -> memref<56x128xf32, #tpu.memory_space<vmem_shared>>
      tpu.wait_dma2 semaphore(%run_scoped3A : memref<!tpu.dma_semaphore, #tpu.memory_space<semaphore_mem>>) src(%dma_wait3A_125 : memref<56x128xf32, #tpu.memory_space<vmem_shared>>) dst(%dma_wait3A_123 : memref<56x128xf32, #tpu.memory_space<vmem>>)
      tpu.yield
    }) : () -> ()
    "tpu.region"() ({
      %run_scoped3A = tpu.sem_alloc : memref<!tpu.dma_semaphore, #tpu.memory_space<semaphore_mem>>
      %dma_start3A_107 = arith.constant 0 : i32
      %dma_start3A_108 = arith.constant 0 : i32
      %dma_start3A_109 = tpu.memref_slice %arg9[%dma_start3A_107, %dma_start3A_108] : memref<64x128xf32, #tpu.memory_space<vmem>> -> memref<56x128xf32, #tpu.memory_space<vmem>>
      %dma_start3A_110 = arith.constant 0 : i32
      %dma_start3A_111 = tpu.memref_slice %arg5[%arg0, %add3A_106, %dma_start3A_110] : memref<2x10112x128xf32, #tpu.memory_space<hbm>> -> memref<1x56x128xf32, #tpu.memory_space<hbm>>
      %dma_start3A_112 = tpu.memref_squeeze %dma_start3A_111 : memref<1x56x128xf32, #tpu.memory_space<hbm>> -> memref<56x128xf32, #tpu.memory_space<hbm>>
      %dma_start3A_113 = arith.constant 0 : i32
      %dma_start3A_114 = tpu.memref_slice %arg5[%arg0, %add3A_106, %dma_start3A_113] : memref<2x10112x128xf32, #tpu.memory_space<hbm>> -> memref<1x56x128xf32, #tpu.memory_space<hbm>>
      %dma_start3A_115 = tpu.memref_squeeze %dma_start3A_114 : memref<1x56x128xf32, #tpu.memory_space<hbm>> -> memref<56x128xf32, #tpu.memory_space<hbm>>
      %dma_start3A_116 = arith.constant 0 : i32
      %dma_start3A_117 = arith.constant 0 : i32
      %dma_start3A_118 = tpu.memref_slice %arg9[%dma_start3A_116, %dma_start3A_117] : memref<64x128xf32, #tpu.memory_space<vmem>> -> memref<56x128xf32, #tpu.memory_space<vmem>>
      tpu.enqueue_dma source(%dma_start3A_118 : memref<56x128xf32, #tpu.memory_space<vmem>>) target(%dma_start3A_115 : memref<56x128xf32, #tpu.memory_space<hbm>>) target_semaphore(%run_scoped3A : memref<!tpu.dma_semaphore, #tpu.memory_space<semaphore_mem>>)
      %dma_wait3A = arith.constant 0 : i32
      %dma_wait3A_119 = arith.constant 0 : i32
      %dma_wait3A_120 = tpu.memref_slice %arg9[%dma_wait3A, %dma_wait3A_119] : memref<64x128xf32, #tpu.memory_space<vmem>> -> memref<56x128xf32, #tpu.memory_space<vmem>>
      %dma_wait3A_121 = arith.constant 0 : i32
      %dma_wait3A_122 = tpu.memref_slice %arg5[%arg0, %add3A_106, %dma_wait3A_121] : memref<2x10112x128xf32, #tpu.memory_space<hbm>> -> memref<1x56x128xf32, #tpu.memory_space<hbm>>
      %dma_wait3A_123 = tpu.memref_squeeze %dma_wait3A_122 : memref<1x56x128xf32, #tpu.memory_space<hbm>> -> memref<56x128xf32, #tpu.memory_space<hbm>>
      %dma_wait3A_124 = arith.constant 0 : i32
      %dma_wait3A_125 = tpu.memref_slice %arg5[%arg0, %add3A_106, %dma_wait3A_124] : memref<2x10112x128xf32, #tpu.memory_space<hbm>> -> memref<1x56x128xf32, #tpu.memory_space<hbm>>
      %dma_wait3A_126 = tpu.memref_squeeze %dma_wait3A_125 : memref<1x56x128xf32, #tpu.memory_space<hbm>> -> memref<56x128xf32, #tpu.memory_space<hbm>>
      %dma_wait3A_127 = arith.constant 0 : i32
      %dma_wait3A_128 = arith.constant 0 : i32
      %dma_wait3A_129 = tpu.memref_slice %arg9[%dma_wait3A_127, %dma_wait3A_128] : memref<64x128xf32, #tpu.memory_space<vmem>> -> memref<56x128xf32, #tpu.memory_space<vmem>>
      tpu.wait_dma2 semaphore(%run_scoped3A : memref<!tpu.dma_semaphore, #tpu.memory_space<semaphore_mem>>) src(%dma_wait3A_129 : memref<56x128xf32, #tpu.memory_space<vmem>>) dst(%dma_wait3A_126 : memref<56x128xf32, #tpu.memory_space<hbm>>)
      tpu.yield
    }) : () -> ()
    return
  }
}

module attributes {stable_mosaic.version = 14 : i64} {
  func.func @_layer_body(%arg0: i32, %arg1: memref<1x1xf32, #tpu.memory_space<vmem>>, %arg2: memref<1000x128xf32, #tpu.memory_space<vmem>>, %arg3: memref<2x1000x128xf32, #tpu.memory_space<vmem>>, %arg4: memref<1x1x1000xi32, #tpu.memory_space<vmem>>, %arg5: memref<128x128xf32, #tpu.memory_space<vmem>>, %arg6: memref<1x128xf32, #tpu.memory_space<vmem>>, %arg7: memref<1000x128xf32, #tpu.memory_space<vmem>>, %arg8: memref<16x128xf32, #tpu.memory_space<vmem>>, %arg9: memref<16x128xf32, #tpu.memory_space<vmem>>, %arg10: memref<16x128xf32, #tpu.memory_space<vmem>>, %arg11: memref<16x128xf32, #tpu.memory_space<vmem>>) attributes {dimension_semantics = [#tpu.dimension_semantics<arbitrary>], iteration_bounds = array<i64: 10>, scalar_prefetch = 0 : i64, scratch_operands = 2 : i64, tpu.core_type = #tpu.core_type<tc>, window_params = [{pipeline_mode = #tpu.pipeline_mode<synchronous>, transform_indices = @transform_0, window_bounds = array<i64: 1, 1>}, {transform_indices = @transform_1, window_bounds = array<i64: 1000, 128>}, {transform_indices = @transform_2, window_bounds = array<i64: 2, 1000, 128>}, {transform_indices = @transform_3, window_bounds = array<i64: 1, 1, 1000>}, {pipeline_mode = #tpu.pipeline_mode<synchronous>, transform_indices = @transform_4, window_bounds = array<i64: 128, 128>}, {pipeline_mode = #tpu.pipeline_mode<synchronous>, transform_indices = @transform_5, window_bounds = array<i64: 1, 128>}, {transform_indices = @transform_6, window_bounds = array<i64: 1000, 128>}, {pipeline_mode = #tpu.pipeline_mode<synchronous>, transform_indices = @transform_7, window_bounds = array<i64: 16, 128>}, {pipeline_mode = #tpu.pipeline_mode<synchronous>, transform_indices = @transform_8, window_bounds = array<i64: 16, 128>}]} {
    %eq3A = arith.constant 0 : i32
    %eq3A_0 = arith.cmpi eq, %arg0, %eq3A : i32
    %convert_element_type3A = arith.extui %eq3A_0 : i1 to i32
    %cond3A = arith.constant 0 : i32
    %cond3A_1 = arith.cmpi ne, %convert_element_type3A, %cond3A : i32
    scf.if %cond3A_1 {
      %broadcast_in_dim3A_67 = arith.constant 0.000000e+00 : f32
      %broadcast_in_dim3A_68 = vector.broadcast %broadcast_in_dim3A_67 : f32 to vector<16x128xf32>
      %swap3A_69 = arith.constant 0 : index
      %swap3A_70 = arith.constant 0 : index
      %swap3A_71 = vector.load %arg10[%swap3A_69, %swap3A_70] : memref<16x128xf32, #tpu.memory_space<vmem>>, vector<16x128xf32>
      tpu.vector_store %arg10[%swap3A_69, %swap3A_70], %broadcast_in_dim3A_68 {strides = array<i32>} : memref<16x128xf32, #tpu.memory_space<vmem>>, vector<16x128xf32>,
      %broadcast_in_dim3A_72 = arith.constant 0.000000e+00 : f32
      %broadcast_in_dim3A_73 = vector.broadcast %broadcast_in_dim3A_72 : f32 to vector<16x128xf32>
      %swap3A_74 = arith.constant 0 : index
      %swap3A_75 = arith.constant 0 : index
      %swap3A_76 = vector.load %arg11[%swap3A_74, %swap3A_75] : memref<16x128xf32, #tpu.memory_space<vmem>>, vector<16x128xf32>
      tpu.vector_store %arg11[%swap3A_74, %swap3A_75], %broadcast_in_dim3A_73 {strides = array<i32>} : memref<16x128xf32, #tpu.memory_space<vmem>>, vector<16x128xf32>,
    } else {
    }
    %get3A = arith.constant 0 : index
    %get3A_2 = arith.constant 0 : index
    %get3A_3 = vector.load %arg1[%get3A, %get3A_2] : memref<1x1xf32, #tpu.memory_space<vmem>>, vector<1x1xf32>
    %get3A_4 = vector.extract %get3A_3[0, 0] : f32 from vector<1x1xf32>
    %get3A_5 = arith.constant 0 : index
    %get3A_6 = arith.constant 0 : index
    %get3A_7 = vector.load %arg2[%get3A_5, %get3A_6] : memref<1000x128xf32, #tpu.memory_space<vmem>>, vector<1000x128xf32>
    %mul3A = vector.broadcast %get3A_4 : f32 to vector<1000x128xf32>
    %mul3A_8 = arith.mulf %mul3A, %get3A_7 : vector<1000x128xf32>
    %get3A_9 = arith.constant 0 : index
    %get3A_10 = arith.constant 0 : index
    %get3A_11 = arith.constant 0 : index
    %get3A_12 = vector.load %arg3[%get3A_9, %get3A_10, %get3A_11] : memref<2x1000x128xf32, #tpu.memory_space<vmem>>, vector<1x1000x128xf32>
    %get3A_13 = vector.shape_cast %get3A_12 : vector<1x1000x128xf32> to vector<1000x128xf32>
    %add3A = arith.addf %mul3A_8, %get3A_13 : vector<1000x128xf32>
    %get3A_14 = arith.constant 1 : index
    %get3A_15 = arith.constant 0 : index
    %get3A_16 = arith.constant 0 : index
    %get3A_17 = vector.load %arg3[%get3A_14, %get3A_15, %get3A_16] : memref<2x1000x128xf32, #tpu.memory_space<vmem>>, vector<1x1000x128xf32>
    %get3A_18 = vector.shape_cast %get3A_17 : vector<1x1000x128xf32> to vector<1000x128xf32>
    %add3A_19 = arith.addf %add3A, %get3A_18 : vector<1000x128xf32>
    %get3A_20 = arith.constant 0 : index
    %get3A_21 = arith.constant 0 : index
    %get3A_22 = vector.load %arg5[%get3A_20, %get3A_21] : memref<128x128xf32, #tpu.memory_space<vmem>>, vector<128x128xf32>
    %dot_general3A = arith.constant dense<0.000000e+00> : vector<1000x128xf32>
    %dot_general3A_23 = tpu.matmul %add3A_19, %get3A_22, %dot_general3A {dimension_numbers = #tpu.dot_dimension_numbers<[1], [0], [0], [1], [0, 0, 1, 1], [], []>, transpose_lhs_hint = false} : vector<1000x128xf32>, vector<128x128xf32>, vector<1000x128xf32> -> vector<1000x128xf32>
    %get3A_24 = arith.constant 0 : index
    %get3A_25 = arith.constant 0 : index
    %get3A_26 = vector.load %arg6[%get3A_24, %get3A_25] : memref<1x128xf32, #tpu.memory_space<vmem>>, vector<1x128xf32>
    %add3A_27 = vector.broadcast %get3A_26 : vector<1x128xf32> to vector<1000x128xf32>
    %add3A_28 = arith.addf %dot_general3A_23, %add3A_27 : vector<1000x128xf32>
    %max3A = arith.constant 0.000000e+00 : f32
    %max3A_29 = vector.broadcast %max3A : f32 to vector<1000x128xf32>
    %max3A_30 = arith.maximumf %add3A_28, %max3A_29 : vector<1000x128xf32>
    %swap3A = arith.constant 0 : index
    %swap3A_31 = arith.constant 0 : index
    %swap3A_32 = vector.load %arg7[%swap3A, %swap3A_31] : memref<1000x128xf32, #tpu.memory_space<vmem>>, vector<1000x128xf32>
    tpu.vector_store %arg7[%swap3A, %swap3A_31], %max3A_30 {strides = array<i32>} : memref<1000x128xf32, #tpu.memory_space<vmem>>, vector<1000x128xf32>,
    %get3A_33 = arith.constant 0 : index
    %get3A_34 = arith.constant 0 : index
    %get3A_35 = arith.constant 0 : index
    %get3A_36 = vector.load %arg4[%get3A_33, %get3A_34, %get3A_35] : memref<1x1x1000xi32, #tpu.memory_space<vmem>>, vector<1x1x1000xi32>
    %get3A_37 = vector.shape_cast %get3A_36 : vector<1x1x1000xi32> to vector<1000xi32>
    %broadcast_in_dim3A = vector.shape_cast %get3A_37 : vector<1000xi32> to vector<1000x1xi32>
    %iota3A = tpu.iota {dimensions = array<i32: 1>} : vector<1000x16xi32>
    %eq3A_38 = vector.broadcast %broadcast_in_dim3A : vector<1000x1xi32> to vector<1000x16xi32>
    %eq3A_39 = arith.cmpi eq, %eq3A_38, %iota3A : vector<1000x16xi32>
    %convert_element_type3A_40 = arith.extui %eq3A_39 : vector<1000x16xi1> to vector<1000x16xi32>
    %convert_element_type3A_41 = arith.sitofp %convert_element_type3A_40 : vector<1000x16xi32> to vector<1000x16xf32>
    %get3A_42 = arith.constant 0 : index
    %get3A_43 = arith.constant 0 : index
    %get3A_44 = vector.load %arg10[%get3A_42, %get3A_43] : memref<16x128xf32, #tpu.memory_space<vmem>>, vector<16x128xf32>
    %dot_general3A_45 = arith.constant dense<0.000000e+00> : vector<16x128xf32>
    %dot_general3A_46 = tpu.matmul %convert_element_type3A_41, %add3A_19, %dot_general3A_45 {dimension_numbers = #tpu.dot_dimension_numbers<[0], [0], [1], [1], [0, 1, 1, 1], [], []>, transpose_lhs_hint = false} : vector<1000x16xf32>, vector<1000x128xf32>, vector<16x128xf32> -> vector<16x128xf32>
    %add3A_47 = arith.addf %get3A_44, %dot_general3A_46 : vector<16x128xf32>
    %swap3A_48 = arith.constant 0 : index
    %swap3A_49 = arith.constant 0 : index
    %swap3A_50 = vector.load %arg10[%swap3A_48, %swap3A_49] : memref<16x128xf32, #tpu.memory_space<vmem>>, vector<16x128xf32>
    tpu.vector_store %arg10[%swap3A_48, %swap3A_49], %add3A_47 {strides = array<i32>} : memref<16x128xf32, #tpu.memory_space<vmem>>, vector<16x128xf32>,
    %get3A_51 = arith.constant 0 : index
    %get3A_52 = arith.constant 0 : index
    %get3A_53 = vector.load %arg11[%get3A_51, %get3A_52] : memref<16x128xf32, #tpu.memory_space<vmem>>, vector<16x128xf32>
    %broadcast_in_dim3A_54 = arith.constant 1.000000e+00 : f32
    %broadcast_in_dim3A_55 = vector.broadcast %broadcast_in_dim3A_54 : f32 to vector<1000x128xf32>
    %dot_general3A_56 = arith.constant dense<0.000000e+00> : vector<16x128xf32>
    %dot_general3A_57 = tpu.matmul %convert_element_type3A_41, %broadcast_in_dim3A_55, %dot_general3A_56 {dimension_numbers = #tpu.dot_dimension_numbers<[0], [0], [1], [1], [0, 1, 1, 1], [], []>, transpose_lhs_hint = false} : vector<1000x16xf32>, vector<1000x128xf32>, vector<16x128xf32> -> vector<16x128xf32>
    %add3A_58 = arith.addf %get3A_53, %dot_general3A_57 : vector<16x128xf32>
    %swap3A_59 = arith.constant 0 : index
    %swap3A_60 = arith.constant 0 : index
    %swap3A_61 = vector.load %arg11[%swap3A_59, %swap3A_60] : memref<16x128xf32, #tpu.memory_space<vmem>>, vector<16x128xf32>
    tpu.vector_store %arg11[%swap3A_59, %swap3A_60], %add3A_58 {strides = array<i32>} : memref<16x128xf32, #tpu.memory_space<vmem>>, vector<16x128xf32>,
    %eq3A_62 = arith.constant 9 : i32
    %eq3A_63 = arith.cmpi eq, %arg0, %eq3A_62 : i32
    %convert_element_type3A_64 = arith.extui %eq3A_63 : i1 to i32
    %cond3A_65 = arith.constant 0 : i32
    %cond3A_66 = arith.cmpi ne, %convert_element_type3A_64, %cond3A_65 : i32
    scf.if %cond3A_66 {
      %get3A_67 = arith.constant 0 : index
      %get3A_68 = arith.constant 0 : index
      %get3A_69 = vector.load %arg10[%get3A_67, %get3A_68] : memref<16x128xf32, #tpu.memory_space<vmem>>, vector<16x128xf32>
      %swap3A_70 = arith.constant 0 : index
      %swap3A_71 = arith.constant 0 : index
      %swap3A_72 = vector.load %arg8[%swap3A_70, %swap3A_71] : memref<16x128xf32, #tpu.memory_space<vmem>>, vector<16x128xf32>
      tpu.vector_store %arg8[%swap3A_70, %swap3A_71], %get3A_69 {strides = array<i32>} : memref<16x128xf32, #tpu.memory_space<vmem>>, vector<16x128xf32>,
      %get3A_73 = arith.constant 0 : index
      %get3A_74 = arith.constant 0 : index
      %get3A_75 = vector.load %arg11[%get3A_73, %get3A_74] : memref<16x128xf32, #tpu.memory_space<vmem>>, vector<16x128xf32>
      %swap3A_76 = arith.constant 0 : index
      %swap3A_77 = arith.constant 0 : index
      %swap3A_78 = vector.load %arg9[%swap3A_76, %swap3A_77] : memref<16x128xf32, #tpu.memory_space<vmem>>, vector<16x128xf32>
      tpu.vector_store %arg9[%swap3A_76, %swap3A_77], %get3A_75 {strides = array<i32>} : memref<16x128xf32, #tpu.memory_space<vmem>>, vector<16x128xf32>,
    } else {
    }
    return
  }
  func.func @transform_0(%arg0: i32) -> (i32, i32) {
    %c0_i32 = arith.constant 0 : i32
    %c0_i32_0 = arith.constant 0 : i32
    %c0_i32_1 = arith.constant 0 : i32
    return %c0_i32, %c0_i32_0 : i32, i32
  }
  func.func @transform_1(%arg0: i32) -> (i32, i32) {
    %c0_i32 = arith.constant 0 : i32
    %c0_i32_0 = arith.constant 0 : i32
    return %arg0, %c0_i32 : i32, i32
  }
  func.func @transform_2(%arg0: i32) -> (i32, i32, i32) {
    %c0_i32 = arith.constant 0 : i32
    %c0_i32_0 = arith.constant 0 : i32
    %c0_i32_1 = arith.constant 0 : i32
    return %c0_i32, %arg0, %c0_i32_0 : i32, i32, i32
  }
  func.func @transform_3(%arg0: i32) -> (i32, i32, i32) {
    %c0_i32 = arith.constant 0 : i32
    %c0_i32_0 = arith.constant 0 : i32
    %c0_i32_1 = arith.constant 0 : i32
    return %arg0, %c0_i32, %c0_i32_0 : i32, i32, i32
  }
  func.func @transform_4(%arg0: i32) -> (i32, i32) {
    %c0_i32 = arith.constant 0 : i32
    %c0_i32_0 = arith.constant 0 : i32
    %c0_i32_1 = arith.constant 0 : i32
    return %c0_i32, %c0_i32_0 : i32, i32
  }
  func.func @transform_5(%arg0: i32) -> (i32, i32) {
    %c0_i32 = arith.constant 0 : i32
    %c0_i32_0 = arith.constant 0 : i32
    %c0_i32_1 = arith.constant 0 : i32
    return %c0_i32, %c0_i32_0 : i32, i32
  }
  func.func @transform_6(%arg0: i32) -> (i32, i32) {
    %c0_i32 = arith.constant 0 : i32
    %c0_i32_0 = arith.constant 0 : i32
    return %arg0, %c0_i32 : i32, i32
  }
  func.func @transform_7(%arg0: i32) -> (i32, i32) {
    %c0_i32 = arith.constant 0 : i32
    %c0_i32_0 = arith.constant 0 : i32
    %c0_i32_1 = arith.constant 0 : i32
    return %c0_i32, %c0_i32_0 : i32, i32
  }
  func.func @transform_8(%arg0: i32) -> (i32, i32) {
    %c0_i32 = arith.constant 0 : i32
    %c0_i32_0 = arith.constant 0 : i32
    %c0_i32_1 = arith.constant 0 : i32
    return %c0_i32, %c0_i32_0 : i32, i32
  }
}

module attributes {stable_mosaic.version = 14 : i64} {
  func.func @_final_body(%arg0: memref<16x128xf32, #tpu.memory_space<vmem>>, %arg1: memref<16x128xf32, #tpu.memory_space<vmem>>, %arg2: memref<128x128xf32, #tpu.memory_space<vmem>>, %arg3: memref<1x128xf32, #tpu.memory_space<vmem>>, %arg4: memref<16x128xf32, #tpu.memory_space<vmem>>) attributes {dimension_semantics = [], scalar_prefetch = 0 : i64, scratch_operands = 0 : i64, tpu.core_type = #tpu.core_type<tc>} {
    %get3A = arith.constant 0 : index
    %get3A_0 = arith.constant 0 : index
    %get3A_1 = vector.load %arg0[%get3A, %get3A_0] : memref<16x128xf32, #tpu.memory_space<vmem>>, vector<16x128xf32>
    %get3A_2 = arith.constant 0 : index
    %get3A_3 = arith.constant 0 : index
    %get3A_4 = vector.load %arg2[%get3A_2, %get3A_3] : memref<128x128xf32, #tpu.memory_space<vmem>>, vector<128x128xf32>
    %dot_general3A = arith.constant dense<0.000000e+00> : vector<16x128xf32>
    %dot_general3A_5 = tpu.matmul %get3A_1, %get3A_4, %dot_general3A {dimension_numbers = #tpu.dot_dimension_numbers<[1], [0], [0], [1], [0, 0, 1, 1], [], []>, transpose_lhs_hint = false} : vector<16x128xf32>, vector<128x128xf32>, vector<16x128xf32> -> vector<16x128xf32>
    %get3A_6 = arith.constant 0 : index
    %get3A_7 = arith.constant 0 : index
    %get3A_8 = vector.load %arg1[%get3A_6, %get3A_7] : memref<16x128xf32, #tpu.memory_space<vmem>>, vector<16x128xf32>
    %get3A_9 = arith.constant 0 : index
    %get3A_10 = arith.constant 0 : index
    %get3A_11 = vector.load %arg3[%get3A_9, %get3A_10] : memref<1x128xf32, #tpu.memory_space<vmem>>, vector<1x128xf32>
    %mul3A = vector.broadcast %get3A_11 : vector<1x128xf32> to vector<16x128xf32>
    %mul3A_12 = arith.mulf %get3A_8, %mul3A : vector<16x128xf32>
    %add3A = arith.addf %dot_general3A_5, %mul3A_12 : vector<16x128xf32>
    %swap3A = arith.constant 0 : index
    %swap3A_13 = arith.constant 0 : index
    %swap3A_14 = vector.load %arg4[%swap3A, %swap3A_13] : memref<16x128xf32, #tpu.memory_space<vmem>>, vector<16x128xf32>
    tpu.vector_store %arg4[%swap3A, %swap3A_13], %add3A {strides = array<i32>} : memref<16x128xf32, #tpu.memory_space<vmem>>, vector<16x128xf32>,
    return
  }
}

</mosaic_0001>

<sc_bundles>
// kernel: closed_call.14.cloned.1.call-start
scs
__scs_entry_jumppad:
0x0: {  	(pc) =	sbr.rel $0x88, $3  }
0x1: {  	(tag) =	ssettag $0x0;
	lr =	simm.s32 $0x1  }
0x2: {  	[smem:$0x3F95] =	sst lr;
	_ =	strace $0xD0000000  }
0x3: {  	_ = 	snop  }
0x4: {  	_ = 	snop  }
0x5: {  	_ = 	snop  }
0x6: {  	_ = 	snop  }
0x7: {  	_ = 	snop  }
__scs_overlays_trampoline_lowered:
0x8: {  	[smem:$0x3FA4] =	sst s0  }
0x9: {  	[smem:$0x3FA5] =	sst s1  }
0xa: {  	[smem:$0x3FA6] =	sst s2  }
0xb: {  	[smem:$0x3FA7] =	sst s3  }
0xc: {  	[smem:$0x3FA8] =	sst s4  }
0xd: {  	[smem:$0x3FA9] =	sst s5  }
0xe: {  	[smem:$0x3FAA] =	sst s6  }
0xf: {  	[smem:$0x3FAB] =	sst s7  }
0x10: {  	[smem:$0x3FAC] =	sst s8  }
0x11: {  	[smem:$0x3FAD] =	sst s9;
	s0 =	simm.s32 @!p0 $0x0  }
0x12: {  	s1 =	sld [smem:$0x3F93];
	s0 =	simm.s32 @p0 $0x1  }
0x13: {  	[smem:$0x3FAE] =	sst s0;
	s0 =	simm.s32 @!p1 $0x0  }
0x14: {  	s2 =	sld [smem:$0x3F92];
	s0 =	simm.s32 @p1 $0x1  }
0x15: {  	[smem:$0x3FAF] =	sst s0;
	s0 =	simm.s32 @!p2 $0x0  }
0x16: {  	s3 =	sld [smem:$0x3FDB];
	s0 =	simm.s32 @p2 $0x1  }
0x17: {  	s4 =	simm.s32 $0x1BF5;
	[smem:$0x3FB1] =	sst s0  }
0x18: {  	s0 =	sld [smem:$0x3F94];
	_ =	swait.ge [sflag:s4], $0x0  }
0x19: {  	s7 =	sld [smem:$0x3F95]  }
0x1a: {  	s8 =	sadd.s32 $0xFFFFE003, lr  }
0x1b: {  	s9 =	sadd.s32 $0xFFFFFEF7, lr;
	s5 =	simm.s32 $0xFFFFFFFF;
	p2 =	slt.u32 s8, $0xFFFFF086  }
0x1c: {  	p1 =	slt.u32 s9, $0xF7A;
	s5 =	simm.s32 @!p2 $0x0  }
0x1d: {  	s5 =	simm.s32 @p1 $0x1;
	p0 =	seq.s32 s7, s2  }
0x1e: {  	s7 =	smul.u32 @!p0 $0xF7A, s2;
	p2 =	seq.s32 @!p0 s5, $0x0  }
0x1f: {  	s9 =	smul.u32 $0xF7A, s1;
	s8 =	simm.s32 @!p0 $0x1BF5;
	p2 =	por !p2, p0  }
0x20: {  	[sflag:s8] =	ssyncset.s32 @!p0 $0xFFFFF086;
	s6 =	sadd.s32 @!p0 s3, s7;
	s7 =	simm.s32 @!p0 $0x108  }
0x21: {  	s3 =	sadd.s32 s3, s9;
	s6 =	sadd.s32 @!p0 $0x88, s6;
	s7 =	simm.s32 @p2 $0x1082  }
0x22: {  	[simem:s7], [sflag:s8] =	dma.local @!p0 [hbm:s6], $0xF7A  }
0x23: {  	s9 =	sor.u32 $0xD0000000, s2;
	s6 =	simm.s32 $0x108;
	_ =	swait.ge @!p0 [sflag:s8], $0x0  }
0x24: {  	s3 =	sadd.s32 $0x88, s3;
	s6 =	simm.s32 @!p1 $0x1082;
	[sflag:s4] =	ssyncset.s32 $0xFFFFF086  }
0x25: {  	[simem:s6], [sflag:s4] =	dma.local [hbm:s3], $0xF7A  }
0x26: {  	[smem:$0x3F95] =	sst s1;
	(tag) =	ssettag s2;
	_ =	strace s9  }
0x27: {  	s1 =	sld [smem:$0x3FA5]  }
0x28: {  	s2 =	sld [smem:$0x3FA6]  }
0x29: {  	s4 =	sld [smem:$0x3FA8]  }
0x2a: {  	p0 =	seq.s32 s5, $0x0;
	s5 =	sld [smem:$0x3FA9]  }
0x2b: {  	s6 =	sld [smem:$0x3FAA]  }
0x2c: {  	s7 =	sld [smem:$0x3FAB]  }
0x2d: {  	s3 =	simm.s32 $0x108;
	s8 =	sld [smem:$0x3FAC]  }
0x2e: {  	s3 =	simm.s32 @!p0 $0x1082;
	s9 =	sld [smem:$0x3FAD]  }
0x2f: {  	lr =	sadd.s32 s0, s3;
	s0 =	sld [smem:$0x3FA4]  }
0x30: {  	s3 =	sld [smem:$0x3FA7]  }
0x31: {  	[smem:$0x3FB0] =	sst s10  }
0x32: {  	s10 =	sld [smem:$0x3FAE];
	_ =	sdelay $0x3  }
0x33: {  	p0 =	seq.s32 s10, $0x1;
	s10 =	sld [smem:$0x3FB0];
	_ =	sdelay $0x3  }
0x34: {  	[smem:$0x3FB0] =	sst s10  }
0x35: {  	s10 =	sld [smem:$0x3FAF];
	_ =	sdelay $0x3  }
0x36: {  	p1 =	seq.s32 s10, $0x1;
	s10 =	sld [smem:$0x3FB0];
	_ =	sdelay $0x3  }
0x37: {  	[smem:$0x3FB0] =	sst s10  }
0x38: {  	s10 =	sld [smem:$0x3FB1]  }
0x39: {  	_ = 	snop;
	(pc) =	sbr.ind lr, $3  }
0x3a: {  	_ = 	snop  }
0x3b: {  	_ = 	snop  }
0x3c: {  	p2 =	seq.s32 s10, $0x1;
	s10 =	sld [smem:$0x3FB0]  }
0x3d: {  	_ =	shalt  }
0x3e: {  	_ =	shalt  }
0x3f: {  	_ =	shalt  }
0x40: {  	_ =	shalt  }
0x41: {  	_ =	shalt  }
0x42: {  	_ =	shalt  }
0x43: {  	_ =	shalt  }
0x44: {  	_ =	shalt  }
0x45: {  	_ =	shalt  }
0x46: {  	_ =	shalt  }
0x47: {  	_ =	shalt  }
0x48: {  	_ =	shalt  }
0x49: {  	_ =	shalt  }
0x4a: {  	_ =	shalt  }
0x4b: {  	_ =	shalt  }
0x4c: {  	_ =	shalt  }
0x4d: {  	_ =	shalt  }
0x4e: {  	_ =	shalt  }
0x4f: {  	_ =	shalt  }
0x50: {  	_ =	shalt  }
0x51: {  	_ =	shalt  }
0x52: {  	_ =	shalt  }
0x53: {  	_ =	shalt  }
0x54: {  	_ =	shalt  }
0x55: {  	_ =	shalt  }
0x56: {  	_ =	shalt  }
0x57: {  	_ =	shalt  }
0x58: {  	_ =	shalt  }
0x59: {  	_ =	shalt  }
0x5a: {  	_ =	shalt  }
0x5b: {  	_ =	shalt  }
0x5c: {  	_ =	shalt  }
0x5d: {  	_ =	shalt  }
0x5e: {  	_ =	shalt  }
0x5f: {  	_ =	shalt  }
0x60: {  	_ =	shalt  }
0x61: {  	_ =	shalt  }
0x62: {  	_ =	shalt  }
0x63: {  	_ =	shalt  }
0x64: {  	_ =	shalt  }
0x65: {  	_ =	shalt  }
0x66: {  	_ =	shalt  }
0x67: {  	_ =	shalt  }
0x68: {  	_ =	shalt  }
0x69: {  	_ =	shalt  }
0x6a: {  	_ =	shalt  }
0x6b: {  	_ =	shalt  }
0x6c: {  	_ =	shalt  }
0x6d: {  	_ =	shalt  }
0x6e: {  	_ =	shalt  }
0x6f: {  	_ =	shalt  }
0x70: {  	_ =	shalt  }
0x71: {  	_ =	shalt  }
0x72: {  	_ =	shalt  }
0x73: {  	_ =	shalt  }
0x74: {  	_ =	shalt  }
0x75: {  	_ =	shalt  }
0x76: {  	_ =	shalt  }
0x77: {  	_ =	shalt  }
0x78: {  	_ =	shalt  }
0x79: {  	_ =	shalt  }
0x7a: {  	_ =	shalt  }
0x7b: {  	_ =	shalt  }
0x7c: {  	_ =	shalt  }
0x7d: {  	_ =	shalt  }
0x7e: {  	_ =	shalt  }
0x7f: {  	_ =	shalt  }
0x80: {  	_ =	shalt  }
0x81: {  	_ =	shalt  }
0x82: {  	_ =	shalt  }
0x83: {  	_ =	shalt  }
0x84: {  	_ =	shalt  }
0x85: {  	_ =	shalt  }
0x86: {  	_ =	shalt  }
0x87: {  	_ =	shalt  }
.Lfunc_end0:
.L_simem_size_0:
called_computation_lowered:
.L_overlay_start_0:
0x88: {  	s2 =	sld [smem:$0x3FD9]  }
0x89: {  	s3 =	sld [smem:$0x3FFE];
	_ =	sdelay $0x1  }
0x8a: {  	s1 =	srdreg.scid  }
0x8b: {  	s0 =	sand.u32 $0x1, s1  }
0x8c: {  	s16 =	sshll.u32 s0, $0xA;
	s2 =	sadd.s32 s3, s2  }
0x8d: {  	s2 =	sadd.s32 s2, s16  }
0x8e: {  	[smem:$0x3FBC] =	sst s2  }
0x8f: {  	_ = 	snop  }
0x90: {  	(tm) =	ssettm $0x1  }
0x91: {  	s17 =	sld [smem:$0x3FFB];
	_ =	sdelay $0x3  }
0x92: {  	_ =	strace s17  }
0x93: {  	s2 =	sld [smem:$0x3FFC];
	_ =	sdelay $0x3  }
0x94: {  	_ =	strace s2  }
0x95: {  	s2 =	sld [smem:$0x3FFD];
	_ =	sdelay $0x3  }
0x96: {  	_ =	strace s2  }
0x97: {  	_ =	strace $0x8FFFFFFF  }
0x98: {  	s18 =	sld [smem:$0x3FDB];
	_ =	sdelay $0x1  }
0x99: {  	s19 =	simm.s32 $_scs_section_size  }
0x9a: {  	s4 =	simm.s32 $_size__tile_overlayer_lowered;
	s5 =	simm.s32 $_tile_overlayer_lowered  }
0x9b: {  	s22 =	simm.s32 $0x1BFF;
	s21 =	sshll.u32 s5, $0x1;
	s2 =	sadd.s32 s19, s18  }
0x9c: {  	s6 =	simm.s32 $0x0;
	s20 =	sshll.u32 s4, $0x1;
	s4 =	sadd.s32 s21, s2  }
0x9d: {  	[timem:s6], [sflag:s22] =	dma.local [hbm:s4], s20  }
0x9e: {  	_ =	swait.ge [sflag:s22], s20  }
0x9f: {  	s3 =	ssub.s32 $0x0, s20;
	[sflag:s22] =	ssyncset.done $0x0  }
0xa0: {  	[sflag:s22] =	ssyncadd.s32 s3;
	_ =	sdelay $0x1  }
0xa1: {  	s23 =	simm.s32 $0x1B8B  }
0xa2: {  	_ =	swait.ge [sflag:s23], $0x1  }
0xa3: {  	[sflag:s23] =	ssyncset.done $0x0  }
0xa4: {  	s25 =	simm.s32 $0x1B8E;
	s24 =	sld [smem:$0x3FFE];
	[sflag:s23] =	ssyncadd.s32 $0xFFFFFFFF  }
0xa5: {  	s26 =	simm.s32 $execute0_lowered;
	[smem:$0x3FD2] =	sst s25  }
0xa6: {  	s4 =	sshll.u32 s26, $0x1;
	_ =	strace $0x80000046;
	[dreg:$0x1] =	wrdreg $0xFFFFFFFF  }
0xa7: {  	s28 =	simm.s32 $_size_execute0_lowered;
	s2 =	sadd.s32 s2, s4;
	[dreg:$0x0] =	wrdreg $0x0  }
0xa8: {  	s4 =	sshll.u32 s28, $0x1;
	[dreg:$0x2] =	wrdreg s2  }
0xa9: {  	[dreg:$0x3] =	wrdreg s4  }
0xaa: {  	[dreg:$0x4] =	wrdreg $0xC0  }
0xab: {  	_ =	task [dreg:s6], $0x5FFFF  }
0xac: {  	[dreg:$0x1] =	wrdreg $0xFFFFFFFF  }
0xad: {  	[dreg:$0x0] =	wrdreg $0x60  }
0xae: {  	[dreg:$0x2] =	wrdreg s24  }
0xaf: {  	[dreg:$0x3] =	wrdreg $0xC0000  }
0xb0: {  	[dreg:$0x4] =	wrdreg $0x9  }
0xb1: {  	_ =	task.clear_ibuf [dreg:s6], $0x5FFFF;
	_ =	strace $0x90000046  }
0xb2: {  	s29 =	simm.s32 $0x9;
	_ =	strace $0x80000048  }
0xb3: {  	_ =	swait.ge [sflag:s29], $0x1  }
0xb4: {  	[sflag:s29] =	ssyncadd.s32 $0xFFFFFFFF  }
0xb5: {  	_ =	strace $0x90000048  }
0xb6: {  	_ =	sfence  }
0xb7: {  	s30 =	sld [smem:$0x0];
	_ =	sdelay $0x2  }
0xb8: {  	s31 =	sshll.u32 s1, $0xD;
	s1 =	sshrl.u32 s1, $0x2  }
0xb9: {  	s3 =	sand.u32 $0x4000, s31;
	s1 =	sadd.s32 s1, s30  }
0xba: {  	s0 =	sor.u32 s3, s0;
	s1 =	sshll.u32 s1, $0x11  }
0xbb: {  	s0 =	sor.u32 s1, s0  }
0xbc: {  	s0 =	sadd.s32 $0x8F2B, s0  }
0xbd: {  	[sflag:s0] =	ssyncadd.remote.s32 $0x1  }
0xbe: {  	_ =	sfence.sel $0xFFFF  }
0xbf: {  	[dreg:$0x0] =	wrdreg $0xFFFFFFFF;
	(pc) =	sbr.abs _section_cstart, $3  }
0xc0: {  	[dreg:$0x1] =	wrdreg $0xFFFFFFFF  }
0xc1: {  	_ =	task.clear_ibuf [dreg:s6], $0x2FFFF;
	_ =	strace $0x9FFFFFFF  }
0xc2: {  	(tm) =	ssettm $0x7FFFFFFF  }
0xc3: {  	_ =	shalt  }
tec
execute0_lowered:
.L_overlay_start_1:
0x0: {  	(tag) =	ssettag $0x1  }
0x1: {  	s0 =	srdreg.scid  }
0x2: {  	s2 =	rddreg [dreg:$0x0];
	s19 =	stileid.u32  }
0x3: {  	s1 =	rddreg [dreg:$0x1];
	s3 =	sand.u32 $0x1, s0;
	s5 =	smul.u32 $0x13C00, s19  }
0x4: {  	s6 =	sadd.s32 $0x3D600, s2;
	s30 =	smul.u32 $0x5000, s19;
	s0 =	ssub.s32 $0x2, s3  }
0x5: {  	s21 =	sshll.u32 s19, $0x1;
	s11 =	smul.u32 $0x13C000, s3;
	s4 =	sshrl.u32 s0, $0x1  }
0x6: {  	s7 =	sadd.s32 $0x2000, s5;
	s8 =	sadd.s32 $0x4000, s5;
	s9 =	sadd.s32 $0x6000, s5  }
0x7: {  	s10 =	sadd.s32 $0x8000, s5;
	s12 =	sadd.s32 $0xA000, s5;
	s13 =	sadd.s32 $0xC000, s5  }
0x8: {  	s14 =	sadd.s32 $0xE000, s5;
	s15 =	sadd.s32 $0x10000, s5;
	s0 =	ssub.s32 s0, s4  }
0x9: {  	s4 =	sor.u32 s3, s21;
	s16 =	sadd.s32 s5, s11;
	s17 =	sadd.s32 s11, s7  }
0xa: {  	s5 =	sadd.s32 $0x12000, s5;
	s23 =	sadd.s32 s11, s8;
	s24 =	sadd.s32 s11, s9  }
0xb: {  	s18 =	sadd.s32 s11, s10;
	s28 =	sadd.s32 s11, s12;
	s29 =	sadd.s32 s11, s13  }
0xc: {  	s3 =	smul.u32 $0x2800, s3;
	s20 =	sadd.s32 s11, s14;
	s21 =	sadd.s32 s11, s15  }
0xd: {  	s16 =	sshrl.u32 s16, $0x3;
	s17 =	sshrl.u32 s17, $0x3;
	s4 =	smul.u32 $0x2800, s4  }
0xe: {  	s18 =	sshrl.u32 s18, $0x3;
	s11 =	sadd.s32 s11, s5;
	s16 =	sadd.s32 s6, s16  }
0xf: {  	s22 =	sadd.s32 s6, s17;
	s17 =	sshrl.u32 s24, $0x3;
	s26 =	sadd.s32 s6, s18  }
0x10: {  	s3 =	sadd.s32 s3, s30;
	s24 =	sadd.s32 $0x2400, s2;
	[dreg:$0x3] =	wrdreg s16  }
0x11: {  	[dreg:$0x4] =	wrdreg s22;
	s16 =	sshrl.u32 s23, $0x3;
	s25 =	sadd.s32 s6, s17  }
0x12: {  	[dreg:$0x7] =	wrdreg s26;
	s17 =	sshrl.u32 s29, $0x3;
	s23 =	sshrl.u32 s11, $0x3  }
0x13: {  	s11 =	simm.s32 $0x0;
	s3 =	sor.u32 $0x100, s3;
	[dreg:$0x6] =	wrdreg s25  }
0x14: {  	s4 =	sshrl.u32 s4, $0x3;
	s16 =	sadd.s32 s6, s16;
	[smem:$0x7FF] =	sst s11  }
0x15: {  	s17 =	sadd.s32 s6, s17;
	s25 =	sadd.s32 $0xC400, s2;
	[dreg:$0x5] =	wrdreg s16  }
0x16: {  	s16 =	sshrl.u32 s28, $0x3;
	[dreg:$0x9] =	wrdreg s17;
	s28 =	sadd.s32 s24, s4  }
0x17: {  	s3 =	sshrl.u32 s3, $0x3;
	s4 =	sadd.s32 s25, s4;
	[dreg:$0xd] =	wrdreg s28  }
0x18: {  	s29 =	sadd.s32 s3, s25;
	[dreg:$0xe] =	wrdreg s4  }
0x19: {  	s16 =	sadd.s32 s6, s16;
	[dreg:$0xf] =	wrdreg s29  }
0x1a: {  	s3 =	sadd.s32 s3, s24;
	[dreg:$0x8] =	wrdreg s16;
	s16 =	sshrl.u32 s20, $0x3  }
0x1b: {  	s22 =	sshrl.u32 s21, $0x3;
	[dreg:$0x10] =	wrdreg s3;
	s16 =	sadd.s32 s6, s16  }
0x1c: {  	[dreg:$0xa] =	wrdreg s16;
	s16 =	sadd.s32 s6, s22  }
0x1d: {  	s31 =	simm.s32 $0xA000;
	s6 =	sadd.s32 s6, s23;
	[dreg:$0xb] =	wrdreg s16  }
0x1e: {  	s9 =	sadd.s32 s9, s1;
	s0 =	smax.u32 s0, $0x1;
	[dreg:$0xc] =	wrdreg s6  }
0x1f: {  	s17 =	sadd.s32 s7, s1;
	_ =	strace $0x80000047;
	[dreg:$0x1a] =	wrdreg s0  }
0x20: {  	s26 =	smul.u32 $0x4F000, s19;
	s19 =	sadd.s32 s8, s1;
	[dreg:$0x11] =	wrdreg s17  }
0x21: {  	s10 =	sadd.s32 s10, s1;
	s12 =	sadd.s32 s12, s1;
	[dreg:$0x12] =	wrdreg s19  }
0x22: {  	s14 =	sadd.s32 s14, s1;
	s15 =	sadd.s32 s15, s1;
	[dreg:$0x13] =	wrdreg s9  }
0x23: {  	s18 =	sadd.s32 $0x16400, s2;
	s21 =	sadd.s32 s5, s1;
	[dreg:$0x14] =	wrdreg s10  }
0x24: {  	s5 =	simm.s32 $0x2;
	s20 =	sadd.s32 s13, s1;
	[dreg:$0x15] =	wrdreg s12  }
0x25: {  	s2 =	simm.s32 $0x2000;
	s30 =	sshrl.u32 s26, $0x2;
	[dreg:$0x16] =	wrdreg s20  }
0x26: {  	s3 =	simm.s32 $0x1;
	s4 =	simm.s32 $0x6000;
	[dreg:$0x17] =	wrdreg s14  }
0x27: {  	s13 =	simm.s32 $0x3;
	s16 =	sadd.s32 s30, s1;
	[dreg:$0x18] =	wrdreg s15  }
0x28: {  	v0 =	vimm.f32 $0.0e+00;
	s6 =	simm.s32 $0x0;
	s0 =	simm.s32 $0x7D;
	[dreg:$0x19] =	wrdreg s21  }
.LBB2_1:
0x29: {  	s7 =	simm.s32 $0x0;
	s8 =	simm.s32 $0x200  }
.LBB2_2:
0x2a: {  	p0 =	sne.s32 s8, $0x7E00;
	[tilespmem:s7+$0xA070] =	vst v0  }
0x2b: {  	[tilespmem:s7+$0xA000] =	vst v0  }
0x2c: {  	[tilespmem:s7+$0xA010] =	vst v0  }
.Ltmp0:
0x2d: {  	[tilespmem:s7+$0xA020] =	vst v0;
	(pc) =	sbr.rel @p0 .LBB2_2-.Ltmp0, $4  }
0x2e: {  	[tilespmem:s7+$0xA030] =	vst v0  }
0x2f: {  	[tilespmem:s7+$0xA040] =	vst v0  }
0x30: {  	[tilespmem:s7+$0xA050] =	vst v0  }
0x31: {  	[tilespmem:s7+$0xA060] =	vst v0;
	s7 =	sshra.s32 s8, $0x2;
	s8 =	sadd.s32 $0x200, s8  }
0x32: {  	[tilespmem:s7+$0xA070] =	vst v0  }
0x33: {  	[tilespmem:s7+$0xA000] =	vst v0  }
0x34: {  	[tilespmem:s7+$0xA010] =	vst v0  }
0x35: {  	[tilespmem:s7+$0xA020] =	vst v0  }
0x36: {  	[tilespmem:s7+$0xA030] =	vst v0  }
0x37: {  	[tilespmem:s7+$0xA040] =	vst v0  }
0x38: {  	[tilespmem:s7+$0xA050] =	vst v0  }
0x39: {  	[tilespmem:s7+$0xA060] =	vst v0  }
0x3a: {  	[spmem:s16] =	stream.linear.scatter [tilespmem:s31], [sflag:$0x3], $0x2000, $0x38;
	[tilespmem:$0x1FC00] =	vst v63  }
0x3b: {  	_ =	swait.ge [sflag:s13], $0x2000  }
0x3c: {  	[sflag:s13] =	ssyncset.done $0x0  }
0x3d: {  	[sflag:s13] =	ssyncadd.s32 $0xFFFFE000  }
0x3e: {  	[spmem:s17] =	stream.linear.scatter [tilespmem:s31], [sflag:$0x3], $0x2000, $0x38;
	[tilespmem:$0x1FC00] =	vst v63  }
0x3f: {  	_ =	swait.ge [sflag:s13], $0x2000  }
0x40: {  	[sflag:s13] =	ssyncset.done $0x0  }
0x41: {  	[sflag:s13] =	ssyncadd.s32 $0xFFFFE000  }
0x42: {  	[spmem:s19] =	stream.linear.scatter [tilespmem:s31], [sflag:$0x3], $0x2000, $0x38;
	[tilespmem:$0x1FC00] =	vst v63  }
0x43: {  	_ =	swait.ge [sflag:s13], $0x2000  }
0x44: {  	[sflag:s13] =	ssyncset.done $0x0  }
0x45: {  	[sflag:s13] =	ssyncadd.s32 $0xFFFFE000  }
0x46: {  	[spmem:s9] =	stream.linear.scatter [tilespmem:s31], [sflag:$0x3], $0x2000, $0x38;
	[tilespmem:$0x1FC00] =	vst v63  }
0x47: {  	_ =	swait.ge [sflag:s13], $0x2000  }
0x48: {  	[sflag:s13] =	ssyncset.done $0x0  }
0x49: {  	[sflag:s13] =	ssyncadd.s32 $0xFFFFE000  }
0x4a: {  	[spmem:s10] =	stream.linear.scatter [tilespmem:s31], [sflag:$0x3], $0x2000, $0x38;
	[tilespmem:$0x1FC00] =	vst v63  }
0x4b: {  	_ =	swait.ge [sflag:s13], $0x2000  }
0x4c: {  	[sflag:s13] =	ssyncset.done $0x0  }
0x4d: {  	[sflag:s13] =	ssyncadd.s32 $0xFFFFE000  }
0x4e: {  	[spmem:s12] =	stream.linear.scatter [tilespmem:s31], [sflag:$0x3], $0x2000, $0x38;
	[tilespmem:$0x1FC00] =	vst v63  }
0x4f: {  	_ =	swait.ge [sflag:s13], $0x2000  }
0x50: {  	[sflag:s13] =	ssyncset.done $0x0  }
0x51: {  	[sflag:s13] =	ssyncadd.s32 $0xFFFFE000  }
0x52: {  	[spmem:s20] =	stream.linear.scatter [tilespmem:s31], [sflag:$0x3], $0x2000, $0x38;
	[tilespmem:$0x1FC00] =	vst v63  }
0x53: {  	_ =	swait.ge [sflag:s13], $0x2000  }
0x54: {  	[sflag:s13] =	ssyncset.done $0x0  }
0x55: {  	[sflag:s13] =	ssyncadd.s32 $0xFFFFE000  }
0x56: {  	[spmem:s14] =	stream.linear.scatter [tilespmem:s31], [sflag:$0x3], $0x2000, $0x38;
	[tilespmem:$0x1FC00] =	vst v63  }
0x57: {  	_ =	swait.ge [sflag:s13], $0x2000  }
0x58: {  	[sflag:s13] =	ssyncset.done $0x0  }
0x59: {  	[sflag:s13] =	ssyncadd.s32 $0xFFFFE000  }
0x5a: {  	[spmem:s15] =	stream.linear.scatter [tilespmem:s31], [sflag:$0x3], $0x2000, $0x38;
	[tilespmem:$0x1FC00] =	vst v63  }
0x5b: {  	_ =	swait.ge [sflag:s13], $0x2000  }
0x5c: {  	[sflag:s13] =	ssyncset.done $0x0  }
0x5d: {  	[sflag:s13] =	ssyncadd.s32 $0xFFFFE000  }
0x5e: {  	[spmem:s21] =	stream.linear.scatter [tilespmem:s31], [sflag:$0x3], $0x1C00, $0x38;
	[tilespmem:$0x1FC00] =	vst v63  }
0x5f: {  	_ =	swait.ge [sflag:s13], $0x1C00  }
0x60: {  	[sflag:s13] =	ssyncset.done $0x0  }
0x61: {  	s21 =	simm.s32 $0x0;
	s8 =	rddreg [dreg:$0xd];
	[sflag:s13] =	ssyncadd.s32 $0xFFFFE400  }
0x62: {  	[tilespmem:s21], [sflag:$0x3] =	stream.linear.gather [hbm4b:s8+s21], $0x800, $0x38;
	[tilespmem:$0x1FC00] =	vst v63  }
0x63: {  	_ =	swait.ge [sflag:s13], $0x800  }
0x64: {  	[sflag:s13] =	ssyncset.done $0x0  }
0x65: {  	s23 =	simm.s32 $0x1000;
	s22 =	rddreg [dreg:$0xe];
	[sflag:s13] =	ssyncadd.s32 $0xFFFFF800  }
0x66: {  	[tilespmem:s23], [sflag:$0x3] =	stream.linear.gather [hbm4b:s22+s21], $0x800, $0x38;
	[tilespmem:$0x1FC00] =	vst v63  }
0x67: {  	_ =	swait.ge [sflag:s13], $0x800  }
0x68: {  	[sflag:s13] =	ssyncset.done $0x0  }
0x69: {  	s24 =	simm.s32 $0x0;
	s7 =	sand.u32 $0xE, s21;
	[sflag:s13] =	ssyncadd.s32 $0xFFFFF800  }
0x6a: {  	s9 =	sand.u32 $0x1, s24;
	s10 =	sshll.u32 s7, $0x9;
	[bflag:$0x0] =	sbarrier.arrive $0xFFFF  }
0x6b: {  	[tilespmem:s2], [sflag:$0x1] =	stream.indirect.gather [hbm4b:s18+s0], $0x80, s21, s0, $0xb8;
	[tilespmem:$0x1FC00] =	vst v63  }
0x6c: {  	s15 =	sshll.u32 s9, $0xB;
	s25 =	sshrl.u32 s10, $0x2;
	_ =	swait.ge [sflag:s3], $0x3E80  }
0x6d: {  	s29 =	smov.u32 s16;
	s26 =	sor.u32 s25, s15;
	[sflag:s3] =	ssyncset.done $0x0  }
0x6e: {  	s16 =	sor.u32 $0x1000, s15;
	s12 =	sor.u32 $0x80, s26;
	[sflag:s3] =	ssyncadd.s32 $0xFFFFC180  }
0x6f: {  	[tilespmem:s4], [sflag:$0x2] =	stream.indirect.gather [hbm4b:s18+s0], $0x80, s12, s0, $0xb8;
	[tilespmem:$0x1FC00] =	vst v63  }
0x70: {  	s8 =	sor.u32 s25, s16  }
0x71: {  	[spmem:s1] =	stream.indirect.scatter.add.f32 [tilespmem:s2], [sflag:$0x3], $0x80, s8, s0, $0xb8;
	[tilespmem:$0x1FC00] =	vst v63  }
0x72: {  	_ =	swait.ge [sflag:s13], $0x3E80  }
0x73: {  	[sflag:s13] =	ssyncset.done $0x0  }
0x74: {  	s28 =	simm.s32 $0x2;
	p0 =	seq.s32 s7, $0xE;
	[sflag:s13] =	ssyncadd.s32 $0xFFFFC180  }
0x75: {  	s30 =	simm.s32 $0x4;
	s7 =	sadd.s32 @p0 $0x1780, s15;
	_ =	swait.ge [sflag:s5], $0x3E80  }
0x76: {  	s17 =	simm.s32 @p0 $0x3;
	s19 =	simm.s32 @p0 $0x7D;
	[sflag:s5] =	ssyncset.done $0x0  }
0x77: {  	s20 =	simm.s32 @p0 $0x0;
	s8 =	simm.s32 @p0 $0x6000;
	[sflag:s5] =	ssyncadd.s32 $0xFFFFC180  }
0x78: {  	[spmem:s1] =	stream.indirect.scatter.add.f32 @p0 [tilespmem:s8], [sflag:$0x3], $0x80, s7, s19, $0xb8;
	[tilespmem:$0x1FC00] =	vst v63  }
0x79: {  	s10 =	sor.u32 @!p0 $0x200, s10;
	s9 =	sshll.u32 @p0 s9, $0xB;
	_ =	swait.ge @p0 [sflag:s17], $0x3E80  }
0x7a: {  	s10 =	sshrl.u32 @!p0 s10, $0x2;
	s8 =	simm.s32 $0x100;
	[sflag:s17] =	ssyncset.done @p0 $0x0  }
0x7b: {  	s14 =	sand.u32 @p0 $0x800, s8;
	s22 =	rddreg [dreg:$0x10];
	[sflag:s17] =	ssyncadd.s32 @p0 $0xFFFFC180  }
0x7c: {  	[tilespmem:s14], [sflag:$0x3] =	stream.linear.gather @p0 [hbm4b:s22+s20], $0x800, $0x38;
	[tilespmem:$0x1FC00] =	vst v63  }
0x7d: {  	s9 =	sxor.u32 @p0 $0x800, s9;
	s15 =	sadd.s32 @!p0 s10, s15;
	_ =	swait.ge @p0 [sflag:s17], $0x800  }
0x7e: {  	s15 =	sadd.s32 @!p0 $0x80, s15;
	s12 =	simm.s32 $0x0;
	[sflag:s17] =	ssyncset.done @p0 $0x0  }
0x7f: {  	s14 =	sor.u32 @p0 $0x1000, s14;
	s21 =	rddreg [dreg:$0xf];
	[sflag:s17] =	ssyncadd.s32 @p0 $0xFFFFF800  }
0x80: {  	[tilespmem:s14], [sflag:$0x3] =	stream.linear.gather @p0 [hbm4b:s21+s20], $0x800, $0x38;
	[tilespmem:$0x1FC00] =	vst v63  }
0x81: {  	s7 =	simm.s32 $0x200;
	s8 =	sand.u32 $0xE, s28;
	_ =	swait.ge @p0 [sflag:s17], $0x800  }
0x82: {  	s14 =	simm.s32 $0x300;
	s20 =	simm.s32 @p0 $0x2000;
	[sflag:s17] =	ssyncset.done @p0 $0x0  }
0x83: {  	[sflag:s17] =	ssyncadd.s32 @p0 $0xFFFFF800;
	s17 =	sadd.s32 @!p0 s10, s16;
	s16 =	simm.s32 @!p0 $0x7D  }
0x84: {  	[tilespmem:s20], [sflag:$0x1] =	stream.indirect.gather @p0 [hbm4b:s18+s19], $0x80, s9, s19, $0xb8;
	[tilespmem:$0x1FC00] =	vst v63  }
0x85: {  	s10 =	sadd.s32 $0x20, s22;
	s9 =	simm.s32 @!p0 $0x2000;
	s20 =	simm.s32 @!p0 $0x6000  }
0x86: {  	[tilespmem:s9], [sflag:$0x1] =	stream.indirect.gather @!p0 [hbm4b:s18+s16], $0x80, s15, s16, $0xb8;
	[tilespmem:$0x1FC00] =	vst v63  }
0x87: {  	s19 =	simm.s32 @!p0 $0x3;
	s9 =	sadd.s32 $0x20, s21;
	s15 =	simm.s32 $0x2  }
.LBB2_4:
0x88: {  	[spmem:s1] =	stream.indirect.scatter.add.f32 @!p0 [tilespmem:s20], [sflag:$0x3], $0x80, s17, s16, $0xb8;
	[tilespmem:$0x1FC00] =	vst v63  }
0x89: {  	s16 =	smov.u32 s14  }
0x8a: {  	s17 =	sand.u32 $0x1, s12;
	s20 =	sshll.u32 s8, $0x9;
	_ =	swait.ge @!p0 [sflag:s19], $0x3E80  }
0x8b: {  	s21 =	sshll.u32 s17, $0xB;
	s22 =	sshrl.u32 s20, $0x2;
	[sflag:s19] =	ssyncset.done @!p0 $0x0  }
0x8c: {  	s23 =	sor.u32 s22, s21;
	s24 =	sor.u32 $0x1000, s21;
	[sflag:s19] =	ssyncadd.s32 @!p0 $0xFFFFC180  }
0x8d: {  	s12 =	sshrl.u32 s15, $0x3;
	s19 =	sor.u32 $0x80, s23;
	_ =	swait.ge [sflag:s3], $0x3E80  }
0x8e: {  	s14 =	sadd.s32 $0x100, s14;
	s23 =	sand.u32 $0xE, s30;
	[sflag:s3] =	ssyncset.done $0x0  }
0x8f: {  	p1 =	sne.s32 s14, $0x2800;
	s22 =	sor.u32 s22, s24;
	[sflag:s3] =	ssyncadd.s32 $0xFFFFC180  }
0x90: {  	[tilespmem:s4], [sflag:$0x2] =	stream.indirect.gather [hbm4b:s18+s0], $0x80, s19, s0, $0xb8;
	[tilespmem:$0x1FC00] =	vst v63  }
0x91: {  	_ = 	snop  }
0x92: {  	[spmem:s1] =	stream.indirect.scatter.add.f32 [tilespmem:s2], [sflag:$0x3], $0x80, s22, s0, $0xb8;
	[tilespmem:$0x1FC00] =	vst v63  }
0x93: {  	_ =	swait.ge [sflag:s13], $0x3E80  }
0x94: {  	[sflag:s13] =	ssyncset.done $0x0  }
0x95: {  	p0 =	seq.s32 s8, $0xE;
	s8 =	smov.u32 s23;
	[sflag:s13] =	ssyncadd.s32 $0xFFFFC180  }
0x96: {  	s20 =	sor.u32 @!p0 $0x200, s20;
	s19 =	sadd.s32 @p0 $0x1780, s21;
	_ =	swait.ge [sflag:s5], $0x3E80  }
0x97: {  	s23 =	simm.s32 @p0 $0x3;
	s22 =	simm.s32 @p0 $0x6000;
	[sflag:s5] =	ssyncset.done $0x0  }
0x98: {  	s25 =	simm.s32 @p0 $0x7D;
	s20 =	sshrl.u32 @!p0 s20, $0x2;
	[sflag:s5] =	ssyncadd.s32 $0xFFFFC180  }
0x99: {  	s26 =	sand.u32 @p0 $0x800, s7;
	s7 =	sshll.u32 @p0 s17, $0xB;
	s17 =	sadd.s32 @!p0 s20, s21  }
0x9a: {  	[spmem:s1] =	stream.indirect.scatter.add.f32 @p0 [tilespmem:s22], [sflag:$0x3], $0x80, s19, s25, $0xb8;
	[tilespmem:$0x1FC00] =	vst v63  }
0x9b: {  	s21 =	sadd.s32 @!p0 $0x80, s17;
	s19 =	sor.u32 @p0 $0x1000, s26;
	_ =	swait.ge @p0 [sflag:s23], $0x3E80  }
0x9c: {  	s28 =	sxor.u32 @p0 $0x800, s7;
	s22 =	simm.s32 @p0 $0x0;
	[sflag:s23] =	ssyncset.done @p0 $0x0  }
0x9d: {  	s7 =	smov.u32 s16;
	s17 =	sadd.s32 @!p0 s20, s24;
	[sflag:s23] =	ssyncadd.s32 @p0 $0xFFFFC180  }
0x9e: {  	[tilespmem:s26], [sflag:$0x3] =	stream.linear.gather @p0 [hbm4b:s10+s22], $0x800, $0x38;
	[tilespmem:$0x1FC00] =	vst v63  }
0x9f: {  	_ =	swait.ge @p0 [sflag:s23], $0x800  }
0xa0: {  	[sflag:s23] =	ssyncset.done @p0 $0x0  }
0xa1: {  	[sflag:s23] =	ssyncadd.s32 @p0 $0xFFFFF800  }
0xa2: {  	[tilespmem:s19], [sflag:$0x3] =	stream.linear.gather @p0 [hbm4b:s9+s22], $0x800, $0x38;
	[tilespmem:$0x1FC00] =	vst v63  }
0xa3: {  	_ =	swait.ge @p0 [sflag:s23], $0x800  }
0xa4: {  	s16 =	simm.s32 @!p0 $0x7D;
	s19 =	simm.s32 @p0 $0x2000;
	[sflag:s23] =	ssyncset.done @p0 $0x0  }
.Ltmp1:
0xa5: {  	s22 =	simm.s32 @!p0 $0x2000;
	[sflag:s23] =	ssyncadd.s32 @p0 $0xFFFFF800;
	(pc) =	sbr.rel @p1 .LBB2_4-.Ltmp1, $4  }
0xa6: {  	[tilespmem:s19], [sflag:$0x1] =	stream.indirect.gather @p0 [hbm4b:s18+s25], $0x80, s28, s25, $0xb8;
	[tilespmem:$0x1FC00] =	vst v63  }
0xa7: {  	s20 =	simm.s32 @!p0 $0x6000;
	s10 =	sadd.s32 $0x20, s10;
	s9 =	sadd.s32 $0x20, s9  }
0xa8: {  	[tilespmem:s22], [sflag:$0x1] =	stream.indirect.gather @!p0 [hbm4b:s18+s16], $0x80, s21, s16, $0xb8;
	[tilespmem:$0x1FC00] =	vst v63  }
0xa9: {  	s15 =	sadd.s32 $0x1, s15;
	s30 =	sadd.s32 $0x2, s30;
	s19 =	simm.s32 @!p0 $0x3  }
0xaa: {  	[spmem:s1] =	stream.indirect.scatter.add.f32 @!p0 [tilespmem:s20], [sflag:$0x3], $0x80, s17, s16, $0xb8;
	[tilespmem:$0x1FC00] =	vst v63  }
0xab: {  	_ =	swait.ge @!p0 [sflag:s19], $0x3E80  }
0xac: {  	[sflag:s19] =	ssyncset.done @!p0 $0x0  }
0xad: {  	s12 =	sand.u32 $0x1, s12;
	s14 =	sshll.u32 s8, $0x9;
	[sflag:s19] =	ssyncadd.s32 @!p0 $0xFFFFC180  }
0xae: {  	s15 =	sshll.u32 s12, $0xB;
	s28 =	sshrl.u32 s14, $0x2;
	_ =	swait.ge [sflag:s3], $0x3E80  }
0xaf: {  	s30 =	sor.u32 s28, s15;
	[sflag:s3] =	ssyncset.done $0x0  }
0xb0: {  	s19 =	sor.u32 $0x1000, s15;
	s17 =	sor.u32 $0x80, s30;
	[sflag:s3] =	ssyncadd.s32 $0xFFFFC180  }
0xb1: {  	[tilespmem:s4], [sflag:$0x2] =	stream.indirect.gather [hbm4b:s18+s0], $0x80, s17, s0, $0xb8;
	[tilespmem:$0x1FC00] =	vst v63  }
0xb2: {  	s16 =	sor.u32 s28, s19  }
0xb3: {  	[spmem:s1] =	stream.indirect.scatter.add.f32 [tilespmem:s2], [sflag:$0x3], $0x80, s16, s0, $0xb8;
	[tilespmem:$0x1FC00] =	vst v63  }
0xb4: {  	_ =	swait.ge [sflag:s13], $0x3E80  }
0xb5: {  	[sflag:s13] =	ssyncset.done $0x0  }
0xb6: {  	[sflag:s13] =	ssyncadd.s32 $0xFFFFC180  }
0xb7: {  	p0 =	seq.s32 s8, $0xE;
	_ =	swait.ge [sflag:s5], $0x3E80  }
0xb8: {  	s8 =	sadd.s32 @p0 $0x1780, s15;
	[sflag:s5] =	ssyncset.done $0x0  }
0xb9: {  	s17 =	simm.s32 @p0 $0x7D;
	s16 =	simm.s32 @p0 $0x6000;
	[sflag:s5] =	ssyncadd.s32 $0xFFFFC180  }
0xba: {  	[spmem:s1] =	stream.indirect.scatter.add.f32 @p0 [tilespmem:s16], [sflag:$0x3], $0x80, s8, s17, $0xb8;
	[tilespmem:$0x1FC00] =	vst v63  }
0xbb: {  	s8 =	simm.s32 @p0 $0x3  }
0xbc: {  	_ =	swait.ge @p0 [sflag:s8], $0x3E80  }
0xbd: {  	[sflag:s8] =	ssyncset.done @p0 $0x0  }
0xbe: {  	s7 =	sand.u32 @p0 $0x800, s7;
	s16 =	simm.s32 @p0 $0x0;
	[sflag:s8] =	ssyncadd.s32 @p0 $0xFFFFC180  }
0xbf: {  	[tilespmem:s7], [sflag:$0x3] =	stream.linear.gather @p0 [hbm4b:s10+s16], $0x800, $0x38;
	[tilespmem:$0x1FC00] =	vst v63  }
0xc0: {  	_ =	swait.ge @p0 [sflag:s8], $0x800  }
0xc1: {  	[sflag:s8] =	ssyncset.done @p0 $0x0  }
0xc2: {  	s7 =	sor.u32 @p0 $0x1000, s7;
	[sflag:s8] =	ssyncadd.s32 @p0 $0xFFFFF800  }
0xc3: {  	[tilespmem:s7], [sflag:$0x3] =	stream.linear.gather @p0 [hbm4b:s9+s16], $0x800, $0x38;
	[tilespmem:$0x1FC00] =	vst v63  }
0xc4: {  	_ =	swait.ge @p0 [sflag:s8], $0x800  }
0xc5: {  	s7 =	sshll.u32 @p0 s12, $0xB;
	[sflag:s8] =	ssyncset.done @p0 $0x0  }
0xc6: {  	s7 =	sxor.u32 @p0 $0x800, s7;
	[sflag:s8] =	ssyncadd.s32 @p0 $0xFFFFF800;
	s8 =	simm.s32 @p0 $0x2000  }
0xc7: {  	[tilespmem:s8], [sflag:$0x1] =	stream.indirect.gather @p0 [hbm4b:s18+s17], $0x80, s7, s17, $0xb8;
	[tilespmem:$0x1FC00] =	vst v63  }
0xc8: {  	s7 =	sor.u32 @!p0 $0x200, s14  }
0xc9: {  	s7 =	sshrl.u32 @!p0 s7, $0x2  }
0xca: {  	s8 =	sadd.s32 @!p0 s7, s15  }
0xcb: {  	s10 =	simm.s32 @!p0 $0x2000;
	s9 =	simm.s32 @!p0 $0x7D;
	s8 =	sadd.s32 @!p0 $0x80, s8  }
0xcc: {  	[tilespmem:s10], [sflag:$0x1] =	stream.indirect.gather @!p0 [hbm4b:s18+s9], $0x80, s8, s9, $0xb8;
	[tilespmem:$0x1FC00] =	vst v63  }
0xcd: {  	s7 =	sadd.s32 @!p0 s7, s19;
	s8 =	simm.s32 @!p0 $0x6000  }
0xce: {  	[spmem:s1] =	stream.indirect.scatter.add.f32 @!p0 [tilespmem:s8], [sflag:$0x3], $0x80, s7, s9, $0xb8;
	[tilespmem:$0x1FC00] =	vst v63  }
0xcf: {  	s7 =	simm.s32 @!p0 $0x3  }
0xd0: {  	_ =	swait.ge @!p0 [sflag:s7], $0x3E80  }
0xd1: {  	[sflag:s7] =	ssyncset.done @!p0 $0x0  }
0xd2: {  	[sflag:s7] =	ssyncadd.s32 @!p0 $0xFFFFC180  }
0xd3: {  	_ =	swait.ge [sflag:s3], $0x3E80  }
0xd4: {  	[sflag:s3] =	ssyncset.done $0x0  }
0xd5: {  	s15 =	simm.s32 $0x780;
	[sflag:s3] =	ssyncadd.s32 $0xFFFFC180  }
0xd6: {  	[tilespmem:s4], [sflag:$0x2] =	stream.indirect.gather [hbm4b:s18+s0], $0x80, s15, s0, $0xb8;
	[tilespmem:$0x1FC00] =	vst v63  }
0xd7: {  	s16 =	simm.s32 $0x1700  }
0xd8: {  	[spmem:s1] =	stream.indirect.scatter.add.f32 [tilespmem:s2], [sflag:$0x3], $0x80, s16, s0, $0xb8;
	[tilespmem:$0x1FC00] =	vst v63  }
0xd9: {  	_ =	swait.ge [sflag:s13], $0x3E80  }
0xda: {  	[sflag:s13] =	ssyncset.done $0x0  }
0xdb: {  	[sflag:s13] =	ssyncadd.s32 $0xFFFFC180  }
0xdc: {  	_ =	swait.ge [sflag:s5], $0x3E80  }
0xdd: {  	[sflag:s5] =	ssyncset.done $0x0  }
0xde: {  	s17 =	simm.s32 $0x1780;
	[sflag:s5] =	ssyncadd.s32 $0xFFFFC180  }
0xdf: {  	[spmem:s1] =	stream.indirect.scatter.add.f32 [tilespmem:s4], [sflag:$0x3], $0x80, s17, s0, $0xb8;
	[tilespmem:$0x1FC00] =	vst v63  }
0xe0: {  	_ =	swait.ge [sflag:s13], $0x3E80  }
0xe1: {  	[sflag:s13] =	ssyncset.done $0x0  }
0xe2: {  	[sflag:s13] =	ssyncadd.s32 $0xFFFFC180  }
0xe3: {  	[bflag:$0x0] =	sbarrier.arrive $0xFFFF  }
0xe4: {  	[tilespmem:s31], [sflag:$0x3] =	stream.linear.gather [spmem:s29], $0x2000, $0x38;
	[tilespmem:$0x1FC00] =	vst v63  }
0xe5: {  	_ =	swait.ge [sflag:s13], $0x2000  }
0xe6: {  	[sflag:s13] =	ssyncset.done $0x0  }
0xe7: {  	s19 =	rddreg [dreg:$0x3];
	[sflag:s13] =	ssyncadd.s32 $0xFFFFE000  }
0xe8: {  	[hbm4b:s19+s11] =	stream.linear.scatter [tilespmem:s31], [sflag:$0x3], $0x2000, $0x38;
	[tilespmem:$0x1FC00] =	vst v63  }
0xe9: {  	_ =	swait.ge [sflag:s13], $0x2000  }
0xea: {  	[sflag:s13] =	ssyncset.done $0x0  }
0xeb: {  	s17 =	rddreg [dreg:$0x11];
	[sflag:s13] =	ssyncadd.s32 $0xFFFFE000  }
0xec: {  	[tilespmem:s31], [sflag:$0x3] =	stream.linear.gather [spmem:s17], $0x2000, $0x38;
	[tilespmem:$0x1FC00] =	vst v63  }
0xed: {  	_ =	swait.ge [sflag:s13], $0x2000  }
0xee: {  	[sflag:s13] =	ssyncset.done $0x0  }
0xef: {  	s20 =	rddreg [dreg:$0x4];
	[sflag:s13] =	ssyncadd.s32 $0xFFFFE000  }
0xf0: {  	[hbm4b:s20+s11] =	stream.linear.scatter [tilespmem:s31], [sflag:$0x3], $0x2000, $0x38;
	[tilespmem:$0x1FC00] =	vst v63  }
0xf1: {  	_ =	swait.ge [sflag:s13], $0x2000  }
0xf2: {  	[sflag:s13] =	ssyncset.done $0x0  }
0xf3: {  	s19 =	rddreg [dreg:$0x12];
	[sflag:s13] =	ssyncadd.s32 $0xFFFFE000  }
0xf4: {  	[tilespmem:s31], [sflag:$0x3] =	stream.linear.gather [spmem:s19], $0x2000, $0x38;
	[tilespmem:$0x1FC00] =	vst v63  }
0xf5: {  	_ =	swait.ge [sflag:s13], $0x2000  }
0xf6: {  	[sflag:s13] =	ssyncset.done $0x0  }
0xf7: {  	s21 =	rddreg [dreg:$0x5];
	[sflag:s13] =	ssyncadd.s32 $0xFFFFE000  }
0xf8: {  	[hbm4b:s21+s11] =	stream.linear.scatter [tilespmem:s31], [sflag:$0x3], $0x2000, $0x38;
	[tilespmem:$0x1FC00] =	vst v63  }
0xf9: {  	_ =	swait.ge [sflag:s13], $0x2000  }
0xfa: {  	[sflag:s13] =	ssyncset.done $0x0  }
0xfb: {  	s9 =	rddreg [dreg:$0x13];
	[sflag:s13] =	ssyncadd.s32 $0xFFFFE000  }
0xfc: {  	[tilespmem:s31], [sflag:$0x3] =	stream.linear.gather [spmem:s9], $0x2000, $0x38;
	[tilespmem:$0x1FC00] =	vst v63  }
0xfd: {  	_ =	swait.ge [sflag:s13], $0x2000  }
0xfe: {  	[sflag:s13] =	ssyncset.done $0x0  }
0xff: {  	s22 =	rddreg [dreg:$0x6];
	[sflag:s13] =	ssyncadd.s32 $0xFFFFE000  }
0x100: {  	[hbm4b:s22+s11] =	stream.linear.scatter [tilespmem:s31], [sflag:$0x3], $0x2000, $0x38;
	[tilespmem:$0x1FC00] =	vst v63  }
0x101: {  	_ =	swait.ge [sflag:s13], $0x2000  }
0x102: {  	[sflag:s13] =	ssyncset.done $0x0  }
0x103: {  	s10 =	rddreg [dreg:$0x14];
	[sflag:s13] =	ssyncadd.s32 $0xFFFFE000  }
0x104: {  	[tilespmem:s31], [sflag:$0x3] =	stream.linear.gather [spmem:s10], $0x2000, $0x38;
	[tilespmem:$0x1FC00] =	vst v63  }
0x105: {  	_ =	swait.ge [sflag:s13], $0x2000  }
0x106: {  	[sflag:s13] =	ssyncset.done $0x0  }
0x107: {  	s23 =	rddreg [dreg:$0x7];
	[sflag:s13] =	ssyncadd.s32 $0xFFFFE000  }
0x108: {  	[hbm4b:s23+s11] =	stream.linear.scatter [tilespmem:s31], [sflag:$0x3], $0x2000, $0x38;
	[tilespmem:$0x1FC00] =	vst v63  }
0x109: {  	_ =	swait.ge [sflag:s13], $0x2000  }
0x10a: {  	[sflag:s13] =	ssyncset.done $0x0  }
0x10b: {  	s12 =	rddreg [dreg:$0x15];
	[sflag:s13] =	ssyncadd.s32 $0xFFFFE000  }
0x10c: {  	[tilespmem:s31], [sflag:$0x3] =	stream.linear.gather [spmem:s12], $0x2000, $0x38;
	[tilespmem:$0x1FC00] =	vst v63  }
0x10d: {  	_ =	swait.ge [sflag:s13], $0x2000  }
0x10e: {  	[sflag:s13] =	ssyncset.done $0x0  }
0x10f: {  	s24 =	rddreg [dreg:$0x8];
	[sflag:s13] =	ssyncadd.s32 $0xFFFFE000  }
0x110: {  	[hbm4b:s24+s11] =	stream.linear.scatter [tilespmem:s31], [sflag:$0x3], $0x2000, $0x38;
	[tilespmem:$0x1FC00] =	vst v63  }
0x111: {  	_ =	swait.ge [sflag:s13], $0x2000  }
0x112: {  	[sflag:s13] =	ssyncset.done $0x0  }
0x113: {  	s20 =	rddreg [dreg:$0x16];
	[sflag:s13] =	ssyncadd.s32 $0xFFFFE000  }
0x114: {  	[tilespmem:s31], [sflag:$0x3] =	stream.linear.gather [spmem:s20], $0x2000, $0x38;
	[tilespmem:$0x1FC00] =	vst v63  }
0x115: {  	_ =	swait.ge [sflag:s13], $0x2000  }
0x116: {  	[sflag:s13] =	ssyncset.done $0x0  }
0x117: {  	s25 =	rddreg [dreg:$0x9];
	[sflag:s13] =	ssyncadd.s32 $0xFFFFE000  }
0x118: {  	[hbm4b:s25+s11] =	stream.linear.scatter [tilespmem:s31], [sflag:$0x3], $0x2000, $0x38;
	[tilespmem:$0x1FC00] =	vst v63  }
0x119: {  	_ =	swait.ge [sflag:s13], $0x2000  }
0x11a: {  	[sflag:s13] =	ssyncset.done $0x0  }
0x11b: {  	s14 =	rddreg [dreg:$0x17];
	[sflag:s13] =	ssyncadd.s32 $0xFFFFE000  }
0x11c: {  	[tilespmem:s31], [sflag:$0x3] =	stream.linear.gather [spmem:s14], $0x2000, $0x38;
	[tilespmem:$0x1FC00] =	vst v63  }
0x11d: {  	_ =	swait.ge [sflag:s13], $0x2000  }
0x11e: {  	[sflag:s13] =	ssyncset.done $0x0  }
0x11f: {  	s26 =	rddreg [dreg:$0xa];
	[sflag:s13] =	ssyncadd.s32 $0xFFFFE000  }
0x120: {  	[hbm4b:s26+s11] =	stream.linear.scatter [tilespmem:s31], [sflag:$0x3], $0x2000, $0x38;
	[tilespmem:$0x1FC00] =	vst v63  }
0x121: {  	_ =	swait.ge [sflag:s13], $0x2000  }
0x122: {  	[sflag:s13] =	ssyncset.done $0x0  }
0x123: {  	s15 =	rddreg [dreg:$0x18];
	[sflag:s13] =	ssyncadd.s32 $0xFFFFE000  }
0x124: {  	[tilespmem:s31], [sflag:$0x3] =	stream.linear.gather [spmem:s15], $0x2000, $0x38;
	[tilespmem:$0x1FC00] =	vst v63  }
0x125: {  	_ =	swait.ge [sflag:s13], $0x2000  }
0x126: {  	[sflag:s13] =	ssyncset.done $0x0  }
0x127: {  	s28 =	rddreg [dreg:$0xb];
	[sflag:s13] =	ssyncadd.s32 $0xFFFFE000  }
0x128: {  	[hbm4b:s28+s11] =	stream.linear.scatter [tilespmem:s31], [sflag:$0x3], $0x2000, $0x38;
	[tilespmem:$0x1FC00] =	vst v63  }
0x129: {  	_ =	swait.ge [sflag:s13], $0x2000  }
0x12a: {  	[sflag:s13] =	ssyncset.done $0x0  }
0x12b: {  	s21 =	rddreg [dreg:$0x19];
	[sflag:s13] =	ssyncadd.s32 $0xFFFFE000  }
0x12c: {  	[tilespmem:s31], [sflag:$0x3] =	stream.linear.gather [spmem:s21], $0x1C00, $0x38;
	[tilespmem:$0x1FC00] =	vst v63  }
0x12d: {  	_ =	swait.ge [sflag:s13], $0x1C00  }
0x12e: {  	[sflag:s13] =	ssyncset.done $0x0  }
0x12f: {  	s16 =	smov.u32 s29;
	s29 =	rddreg [dreg:$0xc];
	[sflag:s13] =	ssyncadd.s32 $0xFFFFE400  }
0x130: {  	[hbm4b:s29+s11] =	stream.linear.scatter [tilespmem:s31], [sflag:$0x3], $0x1C00, $0x38;
	[tilespmem:$0x1FC00] =	vst v63  }
0x131: {  	_ =	swait.ge [sflag:s13], $0x1C00  }
0x132: {  	s6 =	sadd.s32 $0x1, s6;
	s30 =	rddreg [dreg:$0x1a]  }
0x133: {  	p0 =	sne.s32 s6, s30  }
.Ltmp2:
0x134: {  	_ = 	snop;
	(pc) =	sbr.rel @p0 .LBB2_1-.Ltmp2, $3  }
0x135: {  	_ =	sdelay $0x1  }
0x136: {  	[sflag:s13] =	ssyncset.done $0x0  }
0x137: {  	[sflag:s13] =	ssyncadd.s32 $0xFFFFE400  }
0x138: {  	_ =	sfence.sel $0x180000  }
0x139: {  	[bflag:$0x0] =	sbarrier.arrive $0xFFFF  }
0x13a: {  	_ =	strace $0x90000047  }
0x13b: {  	s0 =	stileid.u32;
	[bflag:$0x2] =	sbarrier.arrive $0xFFFF  }
0x13c: {  	p0 =	sne.s32 s0, $0x0;
	s0 =	rddreg [dreg:$0x2]  }
0x13d: {  	s0 =	sadd.s32 @!p0 $0x100000, s0  }
0x13e: {  	[sflag:s0] =	ssyncadd.tile.s32 @!p0 $0x1;
	_ =	shalt  }
.Lfunc_end2:
_tile_overlayer_lowered:
.L_overlay_start_2:
0x13f: {  	(tag) =	ssettag $0x2  }
0x140: {  	s0 =	rddreg [dreg:$0x0];
	s2 =	stileid.u32  }
0x141: {  	s1 =	rddreg [dreg:$0x1];
	p0 =	sne.s32 s2, $0x0  }
0x142: {  	s3 =	rddreg [dreg:$0x2];
	[bflag:$0x3] =	sbarrier.arrive $0xFFFF;
	s2 =	simm.s32 @!p0 $0x1C03  }
0x143: {  	[timem:s3], [sflag:s2] =	dma.local @!p0 [hbm:s0], s1  }
0x144: {  	s0 =	simm.s32 @!p0 $0x3  }
0x145: {  	_ =	swait.ge @!p0 [sflag:s0], s1  }
0x146: {  	s1 =	ssub.s32 @!p0 $0x0, s1;
	[sflag:s0] =	ssyncset.done @!p0 $0x0  }
0x147: {  	[sflag:s0] =	ssyncadd.s32 @!p0 s1  }
0x148: {  	[bflag:$0x3] =	sbarrier.arrive $0xFFFF  }
0x149: {  	_ =	shalt  }

</sc_bundles>
